<compile_context>
chip_gen: v7x
topology: tpu7x:2x2x1
jax: 0.10.2.dev20260603
libtpu: 0.0.44.dev20260713+nightly
codegen_flags: <defaults>
</compile_context>

<pallas_src>
import functools

import jax
import jax.numpy as jnp
from jax import lax
from jax.experimental import pallas as pl
from jax.experimental.pallas import tpu as pltpu
from jax.experimental.pallas import tpu_sc as plsc

N = 10000
E = 320000
D = 128
G = 64

NC = 2
NS = 16
DH = D // NC
EPW = E // NS
WIN = 125
NWIN = EPW // WIN
CHW = 40
NCH = NWIN // CHW
NBUF = 4
RPT = 624
TAIL = N - NS * RPT

RB = 1000
NRB = N // RB


def _sc_gather_segsum(xh, src_r, dst_r):
    mesh = plsc.VectorSubcoreMesh(
        core_axis_name="c", subcore_axis_name="s", num_cores=NC)

    @functools.partial(
        pl.kernel,
        out_type=jax.ShapeDtypeStruct((NC, N, DH), jnp.float32),
        mesh=mesh,
        compiler_params=pltpu.CompilerParams(use_tc_tiling_on_sc=False),
        scratch_types=(
            [pltpu.VMEM((CHW, WIN), jnp.int32),
             pltpu.VMEM((CHW, WIN), jnp.int32)]
            + [pltpu.VMEM((WIN, DH), jnp.float32)] * NBUF
            + [pltpu.VMEM_SHARED((N, DH), jnp.float32)]
            + [pltpu.SemaphoreType.DMA] * NBUF
        ),
    )
    def k(x_hbm, src_hbm, dst_hbm, out_hbm,
          src_v, dst_v, *rest):
        rows = rest[:NBUF]
        agg_sh = rest[NBUF]
        sems = rest[NBUF + 1:]
        cid = lax.axis_index("c")
        sid = lax.axis_index("s")
        xc = x_hbm.at[cid]

        zv = jnp.zeros((16,), jnp.float32)

        @pl.loop(0, WIN)
        def _(r):
            for c in range(DH // 16):
                rows[0][r, pl.ds(c * 16, 16)] = zv

        for t in range(RPT // 104):
            pltpu.sync_copy(rows[0].at[pl.ds(0, 104)],
                            agg_sh.at[pl.ds(sid * RPT + t * 104, 104)])

        @pl.when(sid == 0)
        def _():
            pltpu.sync_copy(rows[0].at[pl.ds(0, TAIL)],
                            agg_sh.at[pl.ds(NS * RPT, TAIL)])

        plsc.subcore_barrier()

        @pl.loop(0, NCH)
        def _(ci):
            pltpu.sync_copy(src_hbm.at[sid].at[pl.ds(ci * CHW, CHW)], src_v)
            pltpu.sync_copy(dst_hbm.at[sid].at[pl.ds(ci * CHW, CHW)], dst_v)
            for k in range(NBUF):
                pltpu.make_async_copy(
                    xc.at[src_v.at[k]], rows[k], sems[k]).start()

            @pl.loop(0, CHW, step=NBUF)
            def _(j):
                for k in range(NBUF):
                    pltpu.make_async_copy(
                        xc.at[src_v.at[j + k]], rows[k], sems[k]).wait()
                    pltpu.sync_copy(rows[k], agg_sh.at[dst_v.at[j + k]],
                                    add=True)

                    @pl.when(j + k + NBUF < CHW)
                    def _():
                        pltpu.make_async_copy(
                            xc.at[src_v.at[j + k + NBUF]],
                            rows[k], sems[k]).start()

        plsc.subcore_barrier()
        pltpu.sync_copy(agg_sh.at[pl.ds(sid * RPT, RPT)],
                        out_hbm.at[cid].at[pl.ds(sid * RPT, RPT)])

        @pl.when(sid == 0)
        def _():
            pltpu.sync_copy(agg_sh.at[pl.ds(NS * RPT, TAIL)],
                            out_hbm.at[cid].at[pl.ds(NS * RPT, TAIL)])

    return k(xh, src_r, dst_r)


def _dot(a, b):
    return lax.dot_general(a, b, (((1,), (0,)), ((), ())),
                           preferred_element_type=jnp.float32)


def _tc_mlp(agg, h, w1, b1, w2, b2):

    def body(agg_ref, h_ref, w1_ref, b1_ref, w2_ref, b2_ref, out_ref):
        a = jnp.concatenate(
            [agg_ref[0] + h_ref[0], agg_ref[1] + h_ref[1]], axis=1)
        z = jnp.maximum(_dot(a, w1_ref[...]) + b1_ref[...], 0.0)
        h2 = jnp.maximum(_dot(z, w2_ref[...]) + b2_ref[...], 0.0)
        out_ref[0] = h2[:, :DH]
        out_ref[1] = h2[:, DH:]

    full = lambda *_: (0, 0)
    return pl.pallas_call(
        body,
        grid=(NRB,),
        in_specs=[
            pl.BlockSpec((NC, RB, DH), lambda i: (0, i, 0)),
            pl.BlockSpec((NC, RB, DH), lambda i: (0, i, 0)),
            pl.BlockSpec((D, D), full),
            pl.BlockSpec((1, D), full),
            pl.BlockSpec((D, D), full),
            pl.BlockSpec((1, D), full),
        ],
        out_specs=pl.BlockSpec((NC, RB, DH), lambda i: (0, i, 0)),
        out_shape=jax.ShapeDtypeStruct((NC, N, DH), jnp.float32),
    )(agg, h, w1, b1, w2, b2)


def _tc_pool(h, batch_r):

    def body(h_ref, batch_ref, out_ref, acc_ref, cnt_ref):
        i = pl.program_id(0)

        @pl.when(i == 0)
        def _():
            acc_ref[...] = jnp.zeros_like(acc_ref)
            cnt_ref[...] = jnp.zeros_like(cnt_ref)

        hh = jnp.concatenate([h_ref[0], h_ref[1]], axis=1)
        bb = batch_ref[0, 0, :]
        gids = lax.broadcasted_iota(jnp.int32, (RB, G), 1)
        onehot = (bb[:, None] == gids).astype(jnp.float32)
        acc_ref[...] += lax.dot_general(
            onehot, hh, (((0,), (0,)), ((), ())),
            preferred_element_type=jnp.float32)
        cnt_ref[...] += jnp.broadcast_to(
            jnp.sum(onehot, axis=0)[:, None], (G, D))

        @pl.when(i == NRB - 1)
        def _():
            out_ref[...] = acc_ref[...] / jnp.maximum(cnt_ref[...], 1.0)

    full = lambda *_: (0, 0)
    return pl.pallas_call(
        body,
        grid=(NRB,),
        in_specs=[
            pl.BlockSpec((NC, RB, DH), lambda i: (0, i, 0)),
            pl.BlockSpec((1, 1, RB), lambda i: (i, 0, 0)),
        ],
        out_specs=pl.BlockSpec((G, D), full),
        out_shape=jax.ShapeDtypeStruct((G, D), jnp.float32),
        scratch_shapes=[
            pltpu.VMEM((G, D), jnp.float32),
            pltpu.VMEM((G, D), jnp.float32),
        ],
    )(h, batch_r)


def kernel(x, edge_index, batch, W1a, b1a, W2a, b2a, W1b, b1b, W2b, b2b):
    src_r = edge_index[0].reshape(NS, NWIN, WIN)
    dst_r = edge_index[1].reshape(NS, NWIN, WIN)
    batch_r = batch.reshape(NRB, 1, RB)
    xh = jnp.stack([x[:, :DH], x[:, DH:]])

    w1s = jnp.stack([W1a, W1b])
    b1s = jnp.stack([b1a.reshape(1, D), b1b.reshape(1, D)])
    w2s = jnp.stack([W2a, W2b])
    b2s = jnp.stack([b2a.reshape(1, D), b2b.reshape(1, D)])

    def step(h, ws):
        w1, b1, w2, b2 = ws
        agg = _sc_gather_segsum(h, src_r, dst_r)
        return _tc_mlp(agg, h, w1, b1, w2, b2), None

    h2, _ = lax.scan(step, xh, (w1s, b1s, w2s, b2s))
    return _tc_pool(h2, batch_r)

# --- scband reference (transcript-rebuilt; emitter-appended) ---
"""Pipeline reference for scband-ginfeatures-84164179132425 (READ-ONLY COPY).

The authoritative reference and input builder live on the scoring server;
editing this copy changes nothing except your own understanding.
"""

import jax, jax.numpy as jnp
import numpy as np

N = 10000
E = 320000
D = 128
G = 64


def setup_inputs(seed: int = 0) -> dict:
    key = jax.random.key(seed)
    ks = jax.random.split(key, 12)
    x = jax.random.normal(ks[0], (N, D), dtype=jnp.float32)
    edge_index = jax.random.randint(ks[1], (2, E), 0, N, dtype=jnp.int32)
    batch = jnp.sort(jax.random.randint(ks[2], (N,), 0, G, dtype=jnp.int32))
    s1 = 1.0 / np.sqrt(D)
    W1a = jax.random.uniform(ks[3], (D, D), jnp.float32, -s1, s1)
    b1a = jax.random.uniform(ks[4], (D,), jnp.float32, -s1, s1)
    W2a = jax.random.uniform(ks[5], (D, D), jnp.float32, -s1, s1)
    b2a = jax.random.uniform(ks[6], (D,), jnp.float32, -s1, s1)
    W1b = jax.random.uniform(ks[7], (D, D), jnp.float32, -s1, s1)
    b1b = jax.random.uniform(ks[8], (D,), jnp.float32, -s1, s1)
    W2b = jax.random.uniform(ks[9], (D, D), jnp.float32, -s1, s1)
    b2b = jax.random.uniform(ks[10], (D,), jnp.float32, -s1, s1)
    return {"x": x, "edge_index": edge_index, "batch": batch,
            "W1a": W1a, "b1a": b1a, "W2a": W2a, "b2a": b2a,
            "W1b": W1b, "b1b": b1b, "W2b": W2b, "b2b": b2b}


def _gin_conv(h, edge_index, W1, b1, W2, b2):
    # GINConv with eps=0: h' = MLP(sum_{j in N(i)} h_j + h_i)
    src = edge_index[0]
    dst = edge_index[1]
    msgs = jnp.take(h, src, axis=0)                      # gather (SparseCore)
    agg = jax.ops.segment_sum(msgs, dst, num_segments=N) # scatter-add
    z = agg + h
    z = jax.nn.relu(z @ W1 + b1)  # Linear -> Identity norm -> ReLU
    z = jax.nn.relu(z @ W2 + b2)  # Linear -> ReLU
    return z


def reference(x, edge_index, batch, W1a, b1a, W2a, b2a, W1b, b1b, W2b, b2b):
    h = _gin_conv(x, edge_index, W1a, b1a, W2a, b2a)
    h = _gin_conv(h, edge_index, W1b, b1b, W2b, b2b)
    # global_mean_pool over batch vector
    sums = jax.ops.segment_sum(h, batch, num_segments=G)
    counts = jax.ops.segment_sum(jnp.ones((N, 1), h.dtype), batch, num_segments=G)
    return sums / jnp.maximum(counts, 1.0)

if __name__ == "__main__":
    import jax
    _d = setup_inputs()
    print(jax.jit(kernel)(*tuple(_d.values())))

</pallas_src>

<mosaic_0001>
#map = affine_map<(d0, d1) -> (0, 0, 0)>
module attributes {stable_mosaic.version = 14 : i64} {
  func.func @k(%arg0: i32, %arg1: i32, %arg2: memref<2x10000x64xf32, #tpu.memory_space<hbm>>, %arg3: memref<16x160x125xi32, #tpu.memory_space<hbm>>, %arg4: memref<16x160x125xi32, #tpu.memory_space<hbm>>, %arg5: memref<2x10000x64xf32, #tpu.memory_space<hbm>>, %arg6: memref<40x125xi32, #tpu.memory_space<vmem>>, %arg7: memref<40x125xi32, #tpu.memory_space<vmem>>, %arg8: memref<125x64xf32, #tpu.memory_space<vmem>>, %arg9: memref<125x64xf32, #tpu.memory_space<vmem>>, %arg10: memref<125x64xf32, #tpu.memory_space<vmem>>, %arg11: memref<125x64xf32, #tpu.memory_space<vmem>>, %arg12: memref<10000x64xf32, #tpu.memory_space<vmem_shared>>, %arg13: memref<!tpu.dma_semaphore, #tpu.memory_space<semaphore_mem>>, %arg14: memref<!tpu.dma_semaphore, #tpu.memory_space<semaphore_mem>>, %arg15: memref<!tpu.dma_semaphore, #tpu.memory_space<semaphore_mem>>, %arg16: memref<!tpu.dma_semaphore, #tpu.memory_space<semaphore_mem>>) attributes {dimension_semantics = [#tpu.dimension_semantics<core_parallel>, #tpu.dimension_semantics<subcore_parallel>], iteration_bounds = array<i64: 2, 16>, scalar_prefetch = 0 : i64, scratch_operands = 11 : i64, tpu.core_type = #tpu.core_type<sc_vector_subcore>, window_params = [{transform_indices = #map}, {transform_indices = #map}, {transform_indices = #map}, {transform_indices = #map}]} {
    %broadcast_in_dim3A = arith.constant 0.000000e+00 : f32
    %broadcast_in_dim3A_0 = vector.broadcast %broadcast_in_dim3A : f32 to vector<16xf32>
    %scan3A = arith.constant 0 : i32
    %scan3A_1 = arith.constant 125 : i32
    %scan3A_2 = arith.addi %scan3A, %scan3A_1 : i32
    %scan3A_3 = arith.constant 1 : i32
    scf.for %scan3A_44 = %scan3A to %scan3A_2 step %scan3A_3  : i32 {
      %mul3A_45 = arith.constant 1 : i32
      %mul3A_46 = arith.muli %scan3A_44, %mul3A_45 : i32
      %add3A_47 = arith.constant 0 : i32
      %add3A_48 = arith.addi %add3A_47, %mul3A_46 : i32
      %swap3A = arith.index_cast %add3A_48 : i32 to index
      %swap3A_49 = arith.constant 0 : index
      %swap3A_50 = tpu.vector_load %arg8[%swap3A, %swap3A_49] {strides = array<i32>} : memref<125x64xf32, #tpu.memory_space<vmem>>, vector<1x16xf32>,
      %swap3A_51 = vector.shape_cast %swap3A_50 : vector<1x16xf32> to vector<16xf32>
      %swap3A_52 = vector.shape_cast %broadcast_in_dim3A_0 : vector<16xf32> to vector<1x16xf32>
      tpu.vector_store %arg8[%swap3A, %swap3A_49], %swap3A_52 {strides = array<i32>} : memref<125x64xf32, #tpu.memory_space<vmem>>, vector<1x16xf32>,
      %swap3A_53 = arith.index_cast %add3A_48 : i32 to index
      %swap3A_54 = arith.constant 16 : index
      %swap3A_55 = tpu.vector_load %arg8[%swap3A_53, %swap3A_54] {strides = array<i32>} : memref<125x64xf32, #tpu.memory_space<vmem>>, vector<1x16xf32>,
      %swap3A_56 = vector.shape_cast %swap3A_55 : vector<1x16xf32> to vector<16xf32>
      %swap3A_57 = vector.shape_cast %broadcast_in_dim3A_0 : vector<16xf32> to vector<1x16xf32>
      tpu.vector_store %arg8[%swap3A_53, %swap3A_54], %swap3A_57 {strides = array<i32>} : memref<125x64xf32, #tpu.memory_space<vmem>>, vector<1x16xf32>,
      %swap3A_58 = arith.index_cast %add3A_48 : i32 to index
      %swap3A_59 = arith.constant 32 : index
      %swap3A_60 = tpu.vector_load %arg8[%swap3A_58, %swap3A_59] {strides = array<i32>} : memref<125x64xf32, #tpu.memory_space<vmem>>, vector<1x16xf32>,
      %swap3A_61 = vector.shape_cast %swap3A_60 : vector<1x16xf32> to vector<16xf32>
      %swap3A_62 = vector.shape_cast %broadcast_in_dim3A_0 : vector<16xf32> to vector<1x16xf32>
      tpu.vector_store %arg8[%swap3A_58, %swap3A_59], %swap3A_62 {strides = array<i32>} : memref<125x64xf32, #tpu.memory_space<vmem>>, vector<1x16xf32>,
      %swap3A_63 = arith.index_cast %add3A_48 : i32 to index
      %swap3A_64 = arith.constant 48 : index
      %swap3A_65 = tpu.vector_load %arg8[%swap3A_63, %swap3A_64] {strides = array<i32>} : memref<125x64xf32, #tpu.memory_space<vmem>>, vector<1x16xf32>,
      %swap3A_66 = vector.shape_cast %swap3A_65 : vector<1x16xf32> to vector<16xf32>
      %swap3A_67 = vector.shape_cast %broadcast_in_dim3A_0 : vector<16xf32> to vector<1x16xf32>
      tpu.vector_store %arg8[%swap3A_63, %swap3A_64], %swap3A_67 {strides = array<i32>} : memref<125x64xf32, #tpu.memory_space<vmem>>, vector<1x16xf32>,
    }
    %scan3A_4 = arith.constant 125 : i32
    %mul3A = arith.constant 624 : i32
    %mul3A_5 = arith.muli %arg1, %mul3A : i32
    %add3A = arith.constant 0 : i32
    %add3A_6 = arith.addi %mul3A_5, %add3A : i32
    "tpu.region"() ({
      %run_scoped3A = tpu.sem_alloc : memref<!tpu.dma_semaphore, #tpu.memory_space<semaphore_mem>>
      %dma_start3A = arith.constant 0 : i32
      %dma_start3A_44 = arith.constant 0 : i32
      %dma_start3A_45 = tpu.memref_slice %arg8[%dma_start3A, %dma_start3A_44] : memref<125x64xf32, #tpu.memory_space<vmem>> -> memref<104x64xf32, #tpu.memory_space<vmem>>
      %dma_start3A_46 = arith.constant 0 : i32
      %dma_start3A_47 = tpu.memref_slice %arg12[%add3A_6, %dma_start3A_46] : memref<10000x64xf32, #tpu.memory_space<vmem_shared>> -> memref<104x64xf32, #tpu.memory_space<vmem_shared>>
      %dma_start3A_48 = arith.constant 0 : i32
      %dma_start3A_49 = tpu.memref_slice %arg12[%add3A_6, %dma_start3A_48] : memref<10000x64xf32, #tpu.memory_space<vmem_shared>> -> memref<104x64xf32, #tpu.memory_space<vmem_shared>>
      %dma_start3A_50 = arith.constant 0 : i32
      %dma_start3A_51 = arith.constant 0 : i32
      %dma_start3A_52 = tpu.memref_slice %arg8[%dma_start3A_50, %dma_start3A_51] : memref<125x64xf32, #tpu.memory_space<vmem>> -> memref<104x64xf32, #tpu.memory_space<vmem>>
      tpu.enqueue_dma source(%dma_start3A_52 : memref<104x64xf32, #tpu.memory_space<vmem>>) target(%dma_start3A_49 : memref<104x64xf32, #tpu.memory_space<vmem_shared>>) target_semaphore(%run_scoped3A : memref<!tpu.dma_semaphore, #tpu.memory_space<semaphore_mem>>)
      %dma_wait3A = arith.constant 0 : i32
      %dma_wait3A_53 = arith.constant 0 : i32
      %dma_wait3A_54 = tpu.memref_slice %arg8[%dma_wait3A, %dma_wait3A_53] : memref<125x64xf32, #tpu.memory_space<vmem>> -> memref<104x64xf32, #tpu.memory_space<vmem>>
      %dma_wait3A_55 = arith.constant 0 : i32
      %dma_wait3A_56 = tpu.memref_slice %arg12[%add3A_6, %dma_wait3A_55] : memref<10000x64xf32, #tpu.memory_space<vmem_shared>> -> memref<104x64xf32, #tpu.memory_space<vmem_shared>>
      %dma_wait3A_57 = arith.constant 0 : i32
      %dma_wait3A_58 = tpu.memref_slice %arg12[%add3A_6, %dma_wait3A_57] : memref<10000x64xf32, #tpu.memory_space<vmem_shared>> -> memref<104x64xf32, #tpu.memory_space<vmem_shared>>
      %dma_wait3A_59 = arith.constant 0 : i32
      %dma_wait3A_60 = arith.constant 0 : i32
      %dma_wait3A_61 = tpu.memref_slice %arg8[%dma_wait3A_59, %dma_wait3A_60] : memref<125x64xf32, #tpu.memory_space<vmem>> -> memref<104x64xf32, #tpu.memory_space<vmem>>
      tpu.wait_dma2 semaphore(%run_scoped3A : memref<!tpu.dma_semaphore, #tpu.memory_space<semaphore_mem>>) src(%dma_wait3A_61 : memref<104x64xf32, #tpu.memory_space<vmem>>) dst(%dma_wait3A_58 : memref<104x64xf32, #tpu.memory_space<vmem_shared>>)
      tpu.yield
    }) : () -> ()
    %mul3A_7 = arith.constant 624 : i32
    %mul3A_8 = arith.muli %arg1, %mul3A_7 : i32
    %add3A_9 = arith.constant 104 : i32
    %add3A_10 = arith.addi %mul3A_8, %add3A_9 : i32
    "tpu.region"() ({
      %run_scoped3A = tpu.sem_alloc : memref<!tpu.dma_semaphore, #tpu.memory_space<semaphore_mem>>
      %dma_start3A = arith.constant 0 : i32
      %dma_start3A_44 = arith.constant 0 : i32
      %dma_start3A_45 = tpu.memref_slice %arg8[%dma_start3A, %dma_start3A_44] : memref<125x64xf32, #tpu.memory_space<vmem>> -> memref<104x64xf32, #tpu.memory_space<vmem>>
      %dma_start3A_46 = arith.constant 0 : i32
      %dma_start3A_47 = tpu.memref_slice %arg12[%add3A_10, %dma_start3A_46] : memref<10000x64xf32, #tpu.memory_space<vmem_shared>> -> memref<104x64xf32, #tpu.memory_space<vmem_shared>>
      %dma_start3A_48 = arith.constant 0 : i32
      %dma_start3A_49 = tpu.memref_slice %arg12[%add3A_10, %dma_start3A_48] : memref<10000x64xf32, #tpu.memory_space<vmem_shared>> -> memref<104x64xf32, #tpu.memory_space<vmem_shared>>
      %dma_start3A_50 = arith.constant 0 : i32
      %dma_start3A_51 = arith.constant 0 : i32
      %dma_start3A_52 = tpu.memref_slice %arg8[%dma_start3A_50, %dma_start3A_51] : memref<125x64xf32, #tpu.memory_space<vmem>> -> memref<104x64xf32, #tpu.memory_space<vmem>>
      tpu.enqueue_dma source(%dma_start3A_52 : memref<104x64xf32, #tpu.memory_space<vmem>>) target(%dma_start3A_49 : memref<104x64xf32, #tpu.memory_space<vmem_shared>>) target_semaphore(%run_scoped3A : memref<!tpu.dma_semaphore, #tpu.memory_space<semaphore_mem>>)
      %dma_wait3A = arith.constant 0 : i32
      %dma_wait3A_53 = arith.constant 0 : i32
      %dma_wait3A_54 = tpu.memref_slice %arg8[%dma_wait3A, %dma_wait3A_53] : memref<125x64xf32, #tpu.memory_space<vmem>> -> memref<104x64xf32, #tpu.memory_space<vmem>>
      %dma_wait3A_55 = arith.constant 0 : i32
      %dma_wait3A_56 = tpu.memref_slice %arg12[%add3A_10, %dma_wait3A_55] : memref<10000x64xf32, #tpu.memory_space<vmem_shared>> -> memref<104x64xf32, #tpu.memory_space<vmem_shared>>
      %dma_wait3A_57 = arith.constant 0 : i32
      %dma_wait3A_58 = tpu.memref_slice %arg12[%add3A_10, %dma_wait3A_57] : memref<10000x64xf32, #tpu.memory_space<vmem_shared>> -> memref<104x64xf32, #tpu.memory_space<vmem_shared>>
      %dma_wait3A_59 = arith.constant 0 : i32
      %dma_wait3A_60 = arith.constant 0 : i32
      %dma_wait3A_61 = tpu.memref_slice %arg8[%dma_wait3A_59, %dma_wait3A_60] : memref<125x64xf32, #tpu.memory_space<vmem>> -> memref<104x64xf32, #tpu.memory_space<vmem>>
      tpu.wait_dma2 semaphore(%run_scoped3A : memref<!tpu.dma_semaphore, #tpu.memory_space<semaphore_mem>>) src(%dma_wait3A_61 : memref<104x64xf32, #tpu.memory_space<vmem>>) dst(%dma_wait3A_58 : memref<104x64xf32, #tpu.memory_space<vmem_shared>>)
      tpu.yield
    }) : () -> ()
    %mul3A_11 = arith.constant 624 : i32
    %mul3A_12 = arith.muli %arg1, %mul3A_11 : i32
    %add3A_13 = arith.constant 208 : i32
    %add3A_14 = arith.addi %mul3A_12, %add3A_13 : i32
    "tpu.region"() ({
      %run_scoped3A = tpu.sem_alloc : memref<!tpu.dma_semaphore, #tpu.memory_space<semaphore_mem>>
      %dma_start3A = arith.constant 0 : i32
      %dma_start3A_44 = arith.constant 0 : i32
      %dma_start3A_45 = tpu.memref_slice %arg8[%dma_start3A, %dma_start3A_44] : memref<125x64xf32, #tpu.memory_space<vmem>> -> memref<104x64xf32, #tpu.memory_space<vmem>>
      %dma_start3A_46 = arith.constant 0 : i32
      %dma_start3A_47 = tpu.memref_slice %arg12[%add3A_14, %dma_start3A_46] : memref<10000x64xf32, #tpu.memory_space<vmem_shared>> -> memref<104x64xf32, #tpu.memory_space<vmem_shared>>
      %dma_start3A_48 = arith.constant 0 : i32
      %dma_start3A_49 = tpu.memref_slice %arg12[%add3A_14, %dma_start3A_48] : memref<10000x64xf32, #tpu.memory_space<vmem_shared>> -> memref<104x64xf32, #tpu.memory_space<vmem_shared>>
      %dma_start3A_50 = arith.constant 0 : i32
      %dma_start3A_51 = arith.constant 0 : i32
      %dma_start3A_52 = tpu.memref_slice %arg8[%dma_start3A_50, %dma_start3A_51] : memref<125x64xf32, #tpu.memory_space<vmem>> -> memref<104x64xf32, #tpu.memory_space<vmem>>
      tpu.enqueue_dma source(%dma_start3A_52 : memref<104x64xf32, #tpu.memory_space<vmem>>) target(%dma_start3A_49 : memref<104x64xf32, #tpu.memory_space<vmem_shared>>) target_semaphore(%run_scoped3A : memref<!tpu.dma_semaphore, #tpu.memory_space<semaphore_mem>>)
      %dma_wait3A = arith.constant 0 : i32
      %dma_wait3A_53 = arith.constant 0 : i32
      %dma_wait3A_54 = tpu.memref_slice %arg8[%dma_wait3A, %dma_wait3A_53] : memref<125x64xf32, #tpu.memory_space<vmem>> -> memref<104x64xf32, #tpu.memory_space<vmem>>
      %dma_wait3A_55 = arith.constant 0 : i32
      %dma_wait3A_56 = tpu.memref_slice %arg12[%add3A_14, %dma_wait3A_55] : memref<10000x64xf32, #tpu.memory_space<vmem_shared>> -> memref<104x64xf32, #tpu.memory_space<vmem_shared>>
      %dma_wait3A_57 = arith.constant 0 : i32
      %dma_wait3A_58 = tpu.memref_slice %arg12[%add3A_14, %dma_wait3A_57] : memref<10000x64xf32, #tpu.memory_space<vmem_shared>> -> memref<104x64xf32, #tpu.memory_space<vmem_shared>>
      %dma_wait3A_59 = arith.constant 0 : i32
      %dma_wait3A_60 = arith.constant 0 : i32
      %dma_wait3A_61 = tpu.memref_slice %arg8[%dma_wait3A_59, %dma_wait3A_60] : memref<125x64xf32, #tpu.memory_space<vmem>> -> memref<104x64xf32, #tpu.memory_space<vmem>>
      tpu.wait_dma2 semaphore(%run_scoped3A : memref<!tpu.dma_semaphore, #tpu.memory_space<semaphore_mem>>) src(%dma_wait3A_61 : memref<104x64xf32, #tpu.memory_space<vmem>>) dst(%dma_wait3A_58 : memref<104x64xf32, #tpu.memory_space<vmem_shared>>)
      tpu.yield
    }) : () -> ()
    %mul3A_15 = arith.constant 624 : i32
    %mul3A_16 = arith.muli %arg1, %mul3A_15 : i32
    %add3A_17 = arith.constant 312 : i32
    %add3A_18 = arith.addi %mul3A_16, %add3A_17 : i32
    "tpu.region"() ({
      %run_scoped3A = tpu.sem_alloc : memref<!tpu.dma_semaphore, #tpu.memory_space<semaphore_mem>>
      %dma_start3A = arith.constant 0 : i32
      %dma_start3A_44 = arith.constant 0 : i32
      %dma_start3A_45 = tpu.memref_slice %arg8[%dma_start3A, %dma_start3A_44] : memref<125x64xf32, #tpu.memory_space<vmem>> -> memref<104x64xf32, #tpu.memory_space<vmem>>
      %dma_start3A_46 = arith.constant 0 : i32
      %dma_start3A_47 = tpu.memref_slice %arg12[%add3A_18, %dma_start3A_46] : memref<10000x64xf32, #tpu.memory_space<vmem_shared>> -> memref<104x64xf32, #tpu.memory_space<vmem_shared>>
      %dma_start3A_48 = arith.constant 0 : i32
      %dma_start3A_49 = tpu.memref_slice %arg12[%add3A_18, %dma_start3A_48] : memref<10000x64xf32, #tpu.memory_space<vmem_shared>> -> memref<104x64xf32, #tpu.memory_space<vmem_shared>>
      %dma_start3A_50 = arith.constant 0 : i32
      %dma_start3A_51 = arith.constant 0 : i32
      %dma_start3A_52 = tpu.memref_slice %arg8[%dma_start3A_50, %dma_start3A_51] : memref<125x64xf32, #tpu.memory_space<vmem>> -> memref<104x64xf32, #tpu.memory_space<vmem>>
      tpu.enqueue_dma source(%dma_start3A_52 : memref<104x64xf32, #tpu.memory_space<vmem>>) target(%dma_start3A_49 : memref<104x64xf32, #tpu.memory_space<vmem_shared>>) target_semaphore(%run_scoped3A : memref<!tpu.dma_semaphore, #tpu.memory_space<semaphore_mem>>)
      %dma_wait3A = arith.constant 0 : i32
      %dma_wait3A_53 = arith.constant 0 : i32
      %dma_wait3A_54 = tpu.memref_slice %arg8[%dma_wait3A, %dma_wait3A_53] : memref<125x64xf32, #tpu.memory_space<vmem>> -> memref<104x64xf32, #tpu.memory_space<vmem>>
      %dma_wait3A_55 = arith.constant 0 : i32
      %dma_wait3A_56 = tpu.memref_slice %arg12[%add3A_18, %dma_wait3A_55] : memref<10000x64xf32, #tpu.memory_space<vmem_shared>> -> memref<104x64xf32, #tpu.memory_space<vmem_shared>>
      %dma_wait3A_57 = arith.constant 0 : i32
      %dma_wait3A_58 = tpu.memref_slice %arg12[%add3A_18, %dma_wait3A_57] : memref<10000x64xf32, #tpu.memory_space<vmem_shared>> -> memref<104x64xf32, #tpu.memory_space<vmem_shared>>
      %dma_wait3A_59 = arith.constant 0 : i32
      %dma_wait3A_60 = arith.constant 0 : i32
      %dma_wait3A_61 = tpu.memref_slice %arg8[%dma_wait3A_59, %dma_wait3A_60] : memref<125x64xf32, #tpu.memory_space<vmem>> -> memref<104x64xf32, #tpu.memory_space<vmem>>
      tpu.wait_dma2 semaphore(%run_scoped3A : memref<!tpu.dma_semaphore, #tpu.memory_space<semaphore_mem>>) src(%dma_wait3A_61 : memref<104x64xf32, #tpu.memory_space<vmem>>) dst(%dma_wait3A_58 : memref<104x64xf32, #tpu.memory_space<vmem_shared>>)
      tpu.yield
    }) : () -> ()
    %mul3A_19 = arith.constant 624 : i32
    %mul3A_20 = arith.muli %arg1, %mul3A_19 : i32
    %add3A_21 = arith.constant 416 : i32
    %add3A_22 = arith.addi %mul3A_20, %add3A_21 : i32
    "tpu.region"() ({
      %run_scoped3A = tpu.sem_alloc : memref<!tpu.dma_semaphore, #tpu.memory_space<semaphore_mem>>
      %dma_start3A = arith.constant 0 : i32
      %dma_start3A_44 = arith.constant 0 : i32
      %dma_start3A_45 = tpu.memref_slice %arg8[%dma_start3A, %dma_start3A_44] : memref<125x64xf32, #tpu.memory_space<vmem>> -> memref<104x64xf32, #tpu.memory_space<vmem>>
      %dma_start3A_46 = arith.constant 0 : i32
      %dma_start3A_47 = tpu.memref_slice %arg12[%add3A_22, %dma_start3A_46] : memref<10000x64xf32, #tpu.memory_space<vmem_shared>> -> memref<104x64xf32, #tpu.memory_space<vmem_shared>>
      %dma_start3A_48 = arith.constant 0 : i32
      %dma_start3A_49 = tpu.memref_slice %arg12[%add3A_22, %dma_start3A_48] : memref<10000x64xf32, #tpu.memory_space<vmem_shared>> -> memref<104x64xf32, #tpu.memory_space<vmem_shared>>
      %dma_start3A_50 = arith.constant 0 : i32
      %dma_start3A_51 = arith.constant 0 : i32
      %dma_start3A_52 = tpu.memref_slice %arg8[%dma_start3A_50, %dma_start3A_51] : memref<125x64xf32, #tpu.memory_space<vmem>> -> memref<104x64xf32, #tpu.memory_space<vmem>>
      tpu.enqueue_dma source(%dma_start3A_52 : memref<104x64xf32, #tpu.memory_space<vmem>>) target(%dma_start3A_49 : memref<104x64xf32, #tpu.memory_space<vmem_shared>>) target_semaphore(%run_scoped3A : memref<!tpu.dma_semaphore, #tpu.memory_space<semaphore_mem>>)
      %dma_wait3A = arith.constant 0 : i32
      %dma_wait3A_53 = arith.constant 0 : i32
      %dma_wait3A_54 = tpu.memref_slice %arg8[%dma_wait3A, %dma_wait3A_53] : memref<125x64xf32, #tpu.memory_space<vmem>> -> memref<104x64xf32, #tpu.memory_space<vmem>>
      %dma_wait3A_55 = arith.constant 0 : i32
      %dma_wait3A_56 = tpu.memref_slice %arg12[%add3A_22, %dma_wait3A_55] : memref<10000x64xf32, #tpu.memory_space<vmem_shared>> -> memref<104x64xf32, #tpu.memory_space<vmem_shared>>
      %dma_wait3A_57 = arith.constant 0 : i32
      %dma_wait3A_58 = tpu.memref_slice %arg12[%add3A_22, %dma_wait3A_57] : memref<10000x64xf32, #tpu.memory_space<vmem_shared>> -> memref<104x64xf32, #tpu.memory_space<vmem_shared>>
      %dma_wait3A_59 = arith.constant 0 : i32
      %dma_wait3A_60 = arith.constant 0 : i32
      %dma_wait3A_61 = tpu.memref_slice %arg8[%dma_wait3A_59, %dma_wait3A_60] : memref<125x64xf32, #tpu.memory_space<vmem>> -> memref<104x64xf32, #tpu.memory_space<vmem>>
      tpu.wait_dma2 semaphore(%run_scoped3A : memref<!tpu.dma_semaphore, #tpu.memory_space<semaphore_mem>>) src(%dma_wait3A_61 : memref<104x64xf32, #tpu.memory_space<vmem>>) dst(%dma_wait3A_58 : memref<104x64xf32, #tpu.memory_space<vmem_shared>>)
      tpu.yield
    }) : () -> ()
    %mul3A_23 = arith.constant 624 : i32
    %mul3A_24 = arith.muli %arg1, %mul3A_23 : i32
    %add3A_25 = arith.constant 520 : i32
    %add3A_26 = arith.addi %mul3A_24, %add3A_25 : i32
    "tpu.region"() ({
      %run_scoped3A = tpu.sem_alloc : memref<!tpu.dma_semaphore, #tpu.memory_space<semaphore_mem>>
      %dma_start3A = arith.constant 0 : i32
      %dma_start3A_44 = arith.constant 0 : i32
      %dma_start3A_45 = tpu.memref_slice %arg8[%dma_start3A, %dma_start3A_44] : memref<125x64xf32, #tpu.memory_space<vmem>> -> memref<104x64xf32, #tpu.memory_space<vmem>>
      %dma_start3A_46 = arith.constant 0 : i32
      %dma_start3A_47 = tpu.memref_slice %arg12[%add3A_26, %dma_start3A_46] : memref<10000x64xf32, #tpu.memory_space<vmem_shared>> -> memref<104x64xf32, #tpu.memory_space<vmem_shared>>
      %dma_start3A_48 = arith.constant 0 : i32
      %dma_start3A_49 = tpu.memref_slice %arg12[%add3A_26, %dma_start3A_48] : memref<10000x64xf32, #tpu.memory_space<vmem_shared>> -> memref<104x64xf32, #tpu.memory_space<vmem_shared>>
      %dma_start3A_50 = arith.constant 0 : i32
      %dma_start3A_51 = arith.constant 0 : i32
      %dma_start3A_52 = tpu.memref_slice %arg8[%dma_start3A_50, %dma_start3A_51] : memref<125x64xf32, #tpu.memory_space<vmem>> -> memref<104x64xf32, #tpu.memory_space<vmem>>
      tpu.enqueue_dma source(%dma_start3A_52 : memref<104x64xf32, #tpu.memory_space<vmem>>) target(%dma_start3A_49 : memref<104x64xf32, #tpu.memory_space<vmem_shared>>) target_semaphore(%run_scoped3A : memref<!tpu.dma_semaphore, #tpu.memory_space<semaphore_mem>>)
      %dma_wait3A = arith.constant 0 : i32
      %dma_wait3A_53 = arith.constant 0 : i32
      %dma_wait3A_54 = tpu.memref_slice %arg8[%dma_wait3A, %dma_wait3A_53] : memref<125x64xf32, #tpu.memory_space<vmem>> -> memref<104x64xf32, #tpu.memory_space<vmem>>
      %dma_wait3A_55 = arith.constant 0 : i32
      %dma_wait3A_56 = tpu.memref_slice %arg12[%add3A_26, %dma_wait3A_55] : memref<10000x64xf32, #tpu.memory_space<vmem_shared>> -> memref<104x64xf32, #tpu.memory_space<vmem_shared>>
      %dma_wait3A_57 = arith.constant 0 : i32
      %dma_wait3A_58 = tpu.memref_slice %arg12[%add3A_26, %dma_wait3A_57] : memref<10000x64xf32, #tpu.memory_space<vmem_shared>> -> memref<104x64xf32, #tpu.memory_space<vmem_shared>>
      %dma_wait3A_59 = arith.constant 0 : i32
      %dma_wait3A_60 = arith.constant 0 : i32
      %dma_wait3A_61 = tpu.memref_slice %arg8[%dma_wait3A_59, %dma_wait3A_60] : memref<125x64xf32, #tpu.memory_space<vmem>> -> memref<104x64xf32, #tpu.memory_space<vmem>>
      tpu.wait_dma2 semaphore(%run_scoped3A : memref<!tpu.dma_semaphore, #tpu.memory_space<semaphore_mem>>) src(%dma_wait3A_61 : memref<104x64xf32, #tpu.memory_space<vmem>>) dst(%dma_wait3A_58 : memref<104x64xf32, #tpu.memory_space<vmem_shared>>)
      tpu.yield
    }) : () -> ()
    %eq3A = arith.constant 0 : i32
    %eq3A_27 = arith.cmpi eq, %arg1, %eq3A : i32
    %convert_element_type3A = arith.extui %eq3A_27 : i1 to i32
    %cond3A = arith.constant 0 : i32
    %cond3A_28 = arith.cmpi ne, %convert_element_type3A, %cond3A : i32
    scf.if %cond3A_28 {
      "tpu.region"() ({
        %run_scoped3A = tpu.sem_alloc : memref<!tpu.dma_semaphore, #tpu.memory_space<semaphore_mem>>
        %dma_start3A = arith.constant 0 : i32
        %dma_start3A_44 = arith.constant 0 : i32
        %dma_start3A_45 = tpu.memref_slice %arg8[%dma_start3A, %dma_start3A_44] : memref<125x64xf32, #tpu.memory_space<vmem>> -> memref<16x64xf32, #tpu.memory_space<vmem>>
        %dma_start3A_46 = arith.constant 9984 : i32
        %dma_start3A_47 = arith.constant 0 : i32
        %dma_start3A_48 = tpu.memref_slice %arg12[%dma_start3A_46, %dma_start3A_47] : memref<10000x64xf32, #tpu.memory_space<vmem_shared>> -> memref<16x64xf32, #tpu.memory_space<vmem_shared>>
        %dma_start3A_49 = arith.constant 9984 : i32
        %dma_start3A_50 = arith.constant 0 : i32
        %dma_start3A_51 = tpu.memref_slice %arg12[%dma_start3A_49, %dma_start3A_50] : memref<10000x64xf32, #tpu.memory_space<vmem_shared>> -> memref<16x64xf32, #tpu.memory_space<vmem_shared>>
        %dma_start3A_52 = arith.constant 0 : i32
        %dma_start3A_53 = arith.constant 0 : i32
        %dma_start3A_54 = tpu.memref_slice %arg8[%dma_start3A_52, %dma_start3A_53] : memref<125x64xf32, #tpu.memory_space<vmem>> -> memref<16x64xf32, #tpu.memory_space<vmem>>
        tpu.enqueue_dma source(%dma_start3A_54 : memref<16x64xf32, #tpu.memory_space<vmem>>) target(%dma_start3A_51 : memref<16x64xf32, #tpu.memory_space<vmem_shared>>) target_semaphore(%run_scoped3A : memref<!tpu.dma_semaphore, #tpu.memory_space<semaphore_mem>>)
        %dma_wait3A = arith.constant 0 : i32
        %dma_wait3A_55 = arith.constant 0 : i32
        %dma_wait3A_56 = tpu.memref_slice %arg8[%dma_wait3A, %dma_wait3A_55] : memref<125x64xf32, #tpu.memory_space<vmem>> -> memref<16x64xf32, #tpu.memory_space<vmem>>
        %dma_wait3A_57 = arith.constant 9984 : i32
        %dma_wait3A_58 = arith.constant 0 : i32
        %dma_wait3A_59 = tpu.memref_slice %arg12[%dma_wait3A_57, %dma_wait3A_58] : memref<10000x64xf32, #tpu.memory_space<vmem_shared>> -> memref<16x64xf32, #tpu.memory_space<vmem_shared>>
        %dma_wait3A_60 = arith.constant 9984 : i32
        %dma_wait3A_61 = arith.constant 0 : i32
        %dma_wait3A_62 = tpu.memref_slice %arg12[%dma_wait3A_60, %dma_wait3A_61] : memref<10000x64xf32, #tpu.memory_space<vmem_shared>> -> memref<16x64xf32, #tpu.memory_space<vmem_shared>>
        %dma_wait3A_63 = arith.constant 0 : i32
        %dma_wait3A_64 = arith.constant 0 : i32
        %dma_wait3A_65 = tpu.memref_slice %arg8[%dma_wait3A_63, %dma_wait3A_64] : memref<125x64xf32, #tpu.memory_space<vmem>> -> memref<16x64xf32, #tpu.memory_space<vmem>>
        tpu.wait_dma2 semaphore(%run_scoped3A : memref<!tpu.dma_semaphore, #tpu.memory_space<semaphore_mem>>) src(%dma_wait3A_65 : memref<16x64xf32, #tpu.memory_space<vmem>>) dst(%dma_wait3A_62 : memref<16x64xf32, #tpu.memory_space<vmem_shared>>)
        tpu.yield
      }) : () -> ()
    } else {
    }
    %barrier3A = arith.constant 0 : index
    tpu.barrier barrier_id(%barrier3A)
    %scan3A_29 = arith.constant 0 : i32
    %scan3A_30 = arith.constant 4 : i32
    %scan3A_31 = arith.addi %scan3A_29, %scan3A_30 : i32
    %scan3A_32 = arith.constant 1 : i32
    scf.for %scan3A_44 = %scan3A_29 to %scan3A_31 step %scan3A_32  : i32 {
      %mul3A_45 = arith.constant 1 : i32
      %mul3A_46 = arith.muli %scan3A_44, %mul3A_45 : i32
      %add3A_47 = arith.constant 0 : i32
      %add3A_48 = arith.addi %add3A_47, %mul3A_46 : i32
      %mul3A_49 = arith.constant 40 : i32
      %mul3A_50 = arith.muli %add3A_48, %mul3A_49 : i32
      "tpu.region"() ({
        %run_scoped3A = tpu.sem_alloc : memref<!tpu.dma_semaphore, #tpu.memory_space<semaphore_mem>>
        %dma_start3A_101 = arith.constant 0 : i32
        %dma_start3A_102 = arith.constant 0 : i32
        %dma_start3A_103 = tpu.memref_slice %arg3[%arg1, %dma_start3A_101, %dma_start3A_102] : memref<16x160x125xi32, #tpu.memory_space<hbm>> -> memref<1x160x125xi32, #tpu.memory_space<hbm>>
        %dma_start3A_104 = tpu.memref_squeeze %dma_start3A_103 : memref<1x160x125xi32, #tpu.memory_space<hbm>> -> memref<160x125xi32, #tpu.memory_space<hbm>>
        %dma_start3A_105 = arith.constant 0 : i32
        %dma_start3A_106 = tpu.memref_slice %dma_start3A_104[%mul3A_50, %dma_start3A_105] : memref<160x125xi32, #tpu.memory_space<hbm>> -> memref<40x125xi32, #tpu.memory_space<hbm>>
        %dma_start3A_107 = arith.constant 0 : i32
        %dma_start3A_108 = arith.constant 0 : i32
        %dma_start3A_109 = tpu.memref_slice %arg3[%arg1, %dma_start3A_107, %dma_start3A_108] : memref<16x160x125xi32, #tpu.memory_space<hbm>> -> memref<1x160x125xi32, #tpu.memory_space<hbm>>
        %dma_start3A_110 = tpu.memref_squeeze %dma_start3A_109 : memref<1x160x125xi32, #tpu.memory_space<hbm>> -> memref<160x125xi32, #tpu.memory_space<hbm>>
        %dma_start3A_111 = arith.constant 0 : i32
        %dma_start3A_112 = tpu.memref_slice %dma_start3A_110[%mul3A_50, %dma_start3A_111] : memref<160x125xi32, #tpu.memory_space<hbm>> -> memref<40x125xi32, #tpu.memory_space<hbm>>
        tpu.enqueue_dma source(%dma_start3A_112 : memref<40x125xi32, #tpu.memory_space<hbm>>) target(%arg6 : memref<40x125xi32, #tpu.memory_space<vmem>>) target_semaphore(%run_scoped3A : memref<!tpu.dma_semaphore, #tpu.memory_space<semaphore_mem>>)
        %dma_wait3A = arith.constant 0 : i32
        %dma_wait3A_113 = arith.constant 0 : i32
        %dma_wait3A_114 = tpu.memref_slice %arg3[%arg1, %dma_wait3A, %dma_wait3A_113] : memref<16x160x125xi32, #tpu.memory_space<hbm>> -> memref<1x160x125xi32, #tpu.memory_space<hbm>>
        %dma_wait3A_115 = tpu.memref_squeeze %dma_wait3A_114 : memref<1x160x125xi32, #tpu.memory_space<hbm>> -> memref<160x125xi32, #tpu.memory_space<hbm>>
        %dma_wait3A_116 = arith.constant 0 : i32
        %dma_wait3A_117 = tpu.memref_slice %dma_wait3A_115[%mul3A_50, %dma_wait3A_116] : memref<160x125xi32, #tpu.memory_space<hbm>> -> memref<40x125xi32, #tpu.memory_space<hbm>>
        %dma_wait3A_118 = arith.constant 0 : i32
        %dma_wait3A_119 = arith.constant 0 : i32
        %dma_wait3A_120 = tpu.memref_slice %arg3[%arg1, %dma_wait3A_118, %dma_wait3A_119] : memref<16x160x125xi32, #tpu.memory_space<hbm>> -> memref<1x160x125xi32, #tpu.memory_space<hbm>>
        %dma_wait3A_121 = tpu.memref_squeeze %dma_wait3A_120 : memref<1x160x125xi32, #tpu.memory_space<hbm>> -> memref<160x125xi32, #tpu.memory_space<hbm>>
        %dma_wait3A_122 = arith.constant 0 : i32
        %dma_wait3A_123 = tpu.memref_slice %dma_wait3A_121[%mul3A_50, %dma_wait3A_122] : memref<160x125xi32, #tpu.memory_space<hbm>> -> memref<40x125xi32, #tpu.memory_space<hbm>>
        tpu.wait_dma2 semaphore(%run_scoped3A : memref<!tpu.dma_semaphore, #tpu.memory_space<semaphore_mem>>) src(%dma_wait3A_123 : memref<40x125xi32, #tpu.memory_space<hbm>>) dst(%arg6 : memref<40x125xi32, #tpu.memory_space<vmem>>)
        tpu.yield
      }) : () -> ()
      %mul3A_51 = arith.constant 40 : i32
      %mul3A_52 = arith.muli %add3A_48, %mul3A_51 : i32
      "tpu.region"() ({
        %run_scoped3A = tpu.sem_alloc : memref<!tpu.dma_semaphore, #tpu.memory_space<semaphore_mem>>
        %dma_start3A_101 = arith.constant 0 : i32
        %dma_start3A_102 = arith.constant 0 : i32
        %dma_start3A_103 = tpu.memref_slice %arg4[%arg1, %dma_start3A_101, %dma_start3A_102] : memref<16x160x125xi32, #tpu.memory_space<hbm>> -> memref<1x160x125xi32, #tpu.memory_space<hbm>>
        %dma_start3A_104 = tpu.memref_squeeze %dma_start3A_103 : memref<1x160x125xi32, #tpu.memory_space<hbm>> -> memref<160x125xi32, #tpu.memory_space<hbm>>
        %dma_start3A_105 = arith.constant 0 : i32
        %dma_start3A_106 = tpu.memref_slice %dma_start3A_104[%mul3A_52, %dma_start3A_105] : memref<160x125xi32, #tpu.memory_space<hbm>> -> memref<40x125xi32, #tpu.memory_space<hbm>>
        %dma_start3A_107 = arith.constant 0 : i32
        %dma_start3A_108 = arith.constant 0 : i32
        %dma_start3A_109 = tpu.memref_slice %arg4[%arg1, %dma_start3A_107, %dma_start3A_108] : memref<16x160x125xi32, #tpu.memory_space<hbm>> -> memref<1x160x125xi32, #tpu.memory_space<hbm>>
        %dma_start3A_110 = tpu.memref_squeeze %dma_start3A_109 : memref<1x160x125xi32, #tpu.memory_space<hbm>> -> memref<160x125xi32, #tpu.memory_space<hbm>>
        %dma_start3A_111 = arith.constant 0 : i32
        %dma_start3A_112 = tpu.memref_slice %dma_start3A_110[%mul3A_52, %dma_start3A_111] : memref<160x125xi32, #tpu.memory_space<hbm>> -> memref<40x125xi32, #tpu.memory_space<hbm>>
        tpu.enqueue_dma source(%dma_start3A_112 : memref<40x125xi32, #tpu.memory_space<hbm>>) target(%arg7 : memref<40x125xi32, #tpu.memory_space<vmem>>) target_semaphore(%run_scoped3A : memref<!tpu.dma_semaphore, #tpu.memory_space<semaphore_mem>>)
        %dma_wait3A = arith.constant 0 : i32
        %dma_wait3A_113 = arith.constant 0 : i32
        %dma_wait3A_114 = tpu.memref_slice %arg4[%arg1, %dma_wait3A, %dma_wait3A_113] : memref<16x160x125xi32, #tpu.memory_space<hbm>> -> memref<1x160x125xi32, #tpu.memory_space<hbm>>
        %dma_wait3A_115 = tpu.memref_squeeze %dma_wait3A_114 : memref<1x160x125xi32, #tpu.memory_space<hbm>> -> memref<160x125xi32, #tpu.memory_space<hbm>>
        %dma_wait3A_116 = arith.constant 0 : i32
        %dma_wait3A_117 = tpu.memref_slice %dma_wait3A_115[%mul3A_52, %dma_wait3A_116] : memref<160x125xi32, #tpu.memory_space<hbm>> -> memref<40x125xi32, #tpu.memory_space<hbm>>
        %dma_wait3A_118 = arith.constant 0 : i32
        %dma_wait3A_119 = arith.constant 0 : i32
        %dma_wait3A_120 = tpu.memref_slice %arg4[%arg1, %dma_wait3A_118, %dma_wait3A_119] : memref<16x160x125xi32, #tpu.memory_space<hbm>> -> memref<1x160x125xi32, #tpu.memory_space<hbm>>
        %dma_wait3A_121 = tpu.memref_squeeze %dma_wait3A_120 : memref<1x160x125xi32, #tpu.memory_space<hbm>> -> memref<160x125xi32, #tpu.memory_space<hbm>>
        %dma_wait3A_122 = arith.constant 0 : i32
        %dma_wait3A_123 = tpu.memref_slice %dma_wait3A_121[%mul3A_52, %dma_wait3A_122] : memref<160x125xi32, #tpu.memory_space<hbm>> -> memref<40x125xi32, #tpu.memory_space<hbm>>
        tpu.wait_dma2 semaphore(%run_scoped3A : memref<!tpu.dma_semaphore, #tpu.memory_space<semaphore_mem>>) src(%dma_wait3A_123 : memref<40x125xi32, #tpu.memory_space<hbm>>) dst(%arg7 : memref<40x125xi32, #tpu.memory_space<vmem>>)
        tpu.yield
      }) : () -> ()
      %dma_start3A = arith.constant 0 : i32
      %dma_start3A_53 = arith.constant 0 : i32
      %dma_start3A_54 = tpu.memref_slice %arg6[%dma_start3A, %dma_start3A_53] : memref<40x125xi32, #tpu.memory_space<vmem>> -> memref<1x125xi32, #tpu.memory_space<vmem>>
      %dma_start3A_55 = tpu.memref_squeeze %dma_start3A_54 : memref<1x125xi32, #tpu.memory_space<vmem>> -> memref<125xi32, #tpu.memory_space<vmem>>
      %dma_start3A_56 = arith.constant 0 : i32
      %dma_start3A_57 = arith.constant 0 : i32
      %dma_start3A_58 = tpu.memref_slice %arg2[%arg0, %dma_start3A_56, %dma_start3A_57] : memref<2x10000x64xf32, #tpu.memory_space<hbm>> -> memref<1x10000x64xf32, #tpu.memory_space<hbm>>
      %dma_start3A_59 = tpu.memref_squeeze %dma_start3A_58 : memref<1x10000x64xf32, #tpu.memory_space<hbm>> -> memref<10000x64xf32, #tpu.memory_space<hbm>>
      %dma_start3A_60 = arith.constant 0 : i32
      %dma_start3A_61 = arith.constant 0 : i32
      %dma_start3A_62 = tpu.memref_slice %dma_start3A_59[%dma_start3A_60, %dma_start3A_61] : memref<10000x64xf32, #tpu.memory_space<hbm>> -> memref<10000x64xf32, #tpu.memory_space<hbm>>
      tpu.enqueue_indirect_dma source(%dma_start3A_62 : memref<10000x64xf32, #tpu.memory_space<hbm>>) target(%arg8 : memref<125x64xf32, #tpu.memory_space<vmem>>) offsets(%dma_start3A_55 : memref<125xi32, #tpu.memory_space<vmem>>) semaphore(%arg13 : memref<!tpu.dma_semaphore, #tpu.memory_space<semaphore_mem>>)
      %dma_start3A_63 = arith.constant 1 : i32
      %dma_start3A_64 = arith.constant 0 : i32
      %dma_start3A_65 = tpu.memref_slice %arg6[%dma_start3A_63, %dma_start3A_64] : memref<40x125xi32, #tpu.memory_space<vmem>> -> memref<1x125xi32, #tpu.memory_space<vmem>>
      %dma_start3A_66 = tpu.memref_squeeze %dma_start3A_65 : memref<1x125xi32, #tpu.memory_space<vmem>> -> memref<125xi32, #tpu.memory_space<vmem>>
      %dma_start3A_67 = arith.constant 0 : i32
      %dma_start3A_68 = arith.constant 0 : i32
      %dma_start3A_69 = tpu.memref_slice %arg2[%arg0, %dma_start3A_67, %dma_start3A_68] : memref<2x10000x64xf32, #tpu.memory_space<hbm>> -> memref<1x10000x64xf32, #tpu.memory_space<hbm>>
      %dma_start3A_70 = tpu.memref_squeeze %dma_start3A_69 : memref<1x10000x64xf32, #tpu.memory_space<hbm>> -> memref<10000x64xf32, #tpu.memory_space<hbm>>
      %dma_start3A_71 = arith.constant 0 : i32
      %dma_start3A_72 = arith.constant 0 : i32
      %dma_start3A_73 = tpu.memref_slice %dma_start3A_70[%dma_start3A_71, %dma_start3A_72] : memref<10000x64xf32, #tpu.memory_space<hbm>> -> memref<10000x64xf32, #tpu.memory_space<hbm>>
      tpu.enqueue_indirect_dma source(%dma_start3A_73 : memref<10000x64xf32, #tpu.memory_space<hbm>>) target(%arg9 : memref<125x64xf32, #tpu.memory_space<vmem>>) offsets(%dma_start3A_66 : memref<125xi32, #tpu.memory_space<vmem>>) semaphore(%arg14 : memref<!tpu.dma_semaphore, #tpu.memory_space<semaphore_mem>>)
      %dma_start3A_74 = arith.constant 2 : i32
      %dma_start3A_75 = arith.constant 0 : i32
      %dma_start3A_76 = tpu.memref_slice %arg6[%dma_start3A_74, %dma_start3A_75] : memref<40x125xi32, #tpu.memory_space<vmem>> -> memref<1x125xi32, #tpu.memory_space<vmem>>
      %dma_start3A_77 = tpu.memref_squeeze %dma_start3A_76 : memref<1x125xi32, #tpu.memory_space<vmem>> -> memref<125xi32, #tpu.memory_space<vmem>>
      %dma_start3A_78 = arith.constant 0 : i32
      %dma_start3A_79 = arith.constant 0 : i32
      %dma_start3A_80 = tpu.memref_slice %arg2[%arg0, %dma_start3A_78, %dma_start3A_79] : memref<2x10000x64xf32, #tpu.memory_space<hbm>> -> memref<1x10000x64xf32, #tpu.memory_space<hbm>>
      %dma_start3A_81 = tpu.memref_squeeze %dma_start3A_80 : memref<1x10000x64xf32, #tpu.memory_space<hbm>> -> memref<10000x64xf32, #tpu.memory_space<hbm>>
      %dma_start3A_82 = arith.constant 0 : i32
      %dma_start3A_83 = arith.constant 0 : i32
      %dma_start3A_84 = tpu.memref_slice %dma_start3A_81[%dma_start3A_82, %dma_start3A_83] : memref<10000x64xf32, #tpu.memory_space<hbm>> -> memref<10000x64xf32, #tpu.memory_space<hbm>>
      tpu.enqueue_indirect_dma source(%dma_start3A_84 : memref<10000x64xf32, #tpu.memory_space<hbm>>) target(%arg10 : memref<125x64xf32, #tpu.memory_space<vmem>>) offsets(%dma_start3A_77 : memref<125xi32, #tpu.memory_space<vmem>>) semaphore(%arg15 : memref<!tpu.dma_semaphore, #tpu.memory_space<semaphore_mem>>)
      %dma_start3A_85 = arith.constant 3 : i32
      %dma_start3A_86 = arith.constant 0 : i32
      %dma_start3A_87 = tpu.memref_slice %arg6[%dma_start3A_85, %dma_start3A_86] : memref<40x125xi32, #tpu.memory_space<vmem>> -> memref<1x125xi32, #tpu.memory_space<vmem>>
      %dma_start3A_88 = tpu.memref_squeeze %dma_start3A_87 : memref<1x125xi32, #tpu.memory_space<vmem>> -> memref<125xi32, #tpu.memory_space<vmem>>
      %dma_start3A_89 = arith.constant 0 : i32
      %dma_start3A_90 = arith.constant 0 : i32
      %dma_start3A_91 = tpu.memref_slice %arg2[%arg0, %dma_start3A_89, %dma_start3A_90] : memref<2x10000x64xf32, #tpu.memory_space<hbm>> -> memref<1x10000x64xf32, #tpu.memory_space<hbm>>
      %dma_start3A_92 = tpu.memref_squeeze %dma_start3A_91 : memref<1x10000x64xf32, #tpu.memory_space<hbm>> -> memref<10000x64xf32, #tpu.memory_space<hbm>>
      %dma_start3A_93 = arith.constant 0 : i32
      %dma_start3A_94 = arith.constant 0 : i32
      %dma_start3A_95 = tpu.memref_slice %dma_start3A_92[%dma_start3A_93, %dma_start3A_94] : memref<10000x64xf32, #tpu.memory_space<hbm>> -> memref<10000x64xf32, #tpu.memory_space<hbm>>
      tpu.enqueue_indirect_dma source(%dma_start3A_95 : memref<10000x64xf32, #tpu.memory_space<hbm>>) target(%arg11 : memref<125x64xf32, #tpu.memory_space<vmem>>) offsets(%dma_start3A_88 : memref<125xi32, #tpu.memory_space<vmem>>) semaphore(%arg16 : memref<!tpu.dma_semaphore, #tpu.memory_space<semaphore_mem>>)
      %scan3A_96 = arith.constant 0 : i32
      %scan3A_97 = arith.constant 10 : i32
      %scan3A_98 = arith.addi %scan3A_96, %scan3A_97 : i32
      %scan3A_99 = arith.constant 1 : i32
      scf.for %scan3A_101 = %scan3A_96 to %scan3A_98 step %scan3A_99  : i32 {
        %mul3A_102 = arith.constant 4 : i32
        %mul3A_103 = arith.muli %scan3A_101, %mul3A_102 : i32
        %add3A_104 = arith.constant 0 : i32
        %add3A_105 = arith.addi %add3A_104, %mul3A_103 : i32
        %add3A_106 = arith.constant 0 : i32
        %add3A_107 = arith.addi %add3A_105, %add3A_106 : i32
        %dma_wait3A = arith.constant 0 : i32
        %dma_wait3A_108 = tpu.memref_slice %arg6[%add3A_107, %dma_wait3A] : memref<40x125xi32, #tpu.memory_space<vmem>> -> memref<1x125xi32, #tpu.memory_space<vmem>>
        %dma_wait3A_109 = tpu.memref_squeeze %dma_wait3A_108 : memref<1x125xi32, #tpu.memory_space<vmem>> -> memref<125xi32, #tpu.memory_space<vmem>>
        %dma_wait3A_110 = arith.constant 0 : i32
        %dma_wait3A_111 = arith.constant 0 : i32
        %dma_wait3A_112 = tpu.memref_slice %arg2[%arg0, %dma_wait3A_110, %dma_wait3A_111] : memref<2x10000x64xf32, #tpu.memory_space<hbm>> -> memref<1x10000x64xf32, #tpu.memory_space<hbm>>
        %dma_wait3A_113 = tpu.memref_squeeze %dma_wait3A_112 : memref<1x10000x64xf32, #tpu.memory_space<hbm>> -> memref<10000x64xf32, #tpu.memory_space<hbm>>
        %dma_wait3A_114 = arith.constant 0 : i32
        %dma_wait3A_115 = arith.constant 0 : i32
        %dma_wait3A_116 = tpu.memref_slice %dma_wait3A_113[%dma_wait3A_114, %dma_wait3A_115] : memref<10000x64xf32, #tpu.memory_space<hbm>> -> memref<10000x64xf32, #tpu.memory_space<hbm>>
        tpu.wait_indirect_dma semaphore(%arg13 : memref<!tpu.dma_semaphore, #tpu.memory_space<semaphore_mem>>) src(%dma_wait3A_116 : memref<10000x64xf32, #tpu.memory_space<hbm>>) dst(%arg8 : memref<125x64xf32, #tpu.memory_space<vmem>>)
        %add3A_117 = arith.constant 0 : i32
        %add3A_118 = arith.addi %add3A_105, %add3A_117 : i32
        "tpu.region"() ({
          %run_scoped3A = tpu.sem_alloc : memref<!tpu.dma_semaphore, #tpu.memory_space<semaphore_mem>>
          %dma_start3A_196 = arith.constant 0 : i32
          %dma_start3A_197 = tpu.memref_slice %arg7[%add3A_118, %dma_start3A_196] : memref<40x125xi32, #tpu.memory_space<vmem>> -> memref<1x125xi32, #tpu.memory_space<vmem>>
          %dma_start3A_198 = tpu.memref_squeeze %dma_start3A_197 : memref<1x125xi32, #tpu.memory_space<vmem>> -> memref<125xi32, #tpu.memory_space<vmem>>
          %dma_start3A_199 = arith.constant 0 : i32
          %dma_start3A_200 = arith.constant 0 : i32
          %dma_start3A_201 = tpu.memref_slice %arg12[%dma_start3A_199, %dma_start3A_200] : memref<10000x64xf32, #tpu.memory_space<vmem_shared>> -> memref<10000x64xf32, #tpu.memory_space<vmem_shared>>
          tpu.enqueue_indirect_dma source(%arg8 : memref<125x64xf32, #tpu.memory_space<vmem>>) target(%dma_start3A_201 : memref<10000x64xf32, #tpu.memory_space<vmem_shared>>) offsets(%dma_start3A_198 : memref<125xi32, #tpu.memory_space<vmem>>) semaphore(%run_scoped3A : memref<!tpu.dma_semaphore, #tpu.memory_space<semaphore_mem>>) {add = true}
          %dma_wait3A_202 = arith.constant 0 : i32
          %dma_wait3A_203 = tpu.memref_slice %arg7[%add3A_118, %dma_wait3A_202] : memref<40x125xi32, #tpu.memory_space<vmem>> -> memref<1x125xi32, #tpu.memory_space<vmem>>
          %dma_wait3A_204 = tpu.memref_squeeze %dma_wait3A_203 : memref<1x125xi32, #tpu.memory_space<vmem>> -> memref<125xi32, #tpu.memory_space<vmem>>
          %dma_wait3A_205 = arith.constant 0 : i32
          %dma_wait3A_206 = arith.constant 0 : i32
          %dma_wait3A_207 = tpu.memref_slice %arg12[%dma_wait3A_205, %dma_wait3A_206] : memref<10000x64xf32, #tpu.memory_space<vmem_shared>> -> memref<10000x64xf32, #tpu.memory_space<vmem_shared>>
          tpu.wait_indirect_dma semaphore(%run_scoped3A : memref<!tpu.dma_semaphore, #tpu.memory_space<semaphore_mem>>) src(%arg8 : memref<125x64xf32, #tpu.memory_space<vmem>>) dst(%dma_wait3A_207 : memref<10000x64xf32, #tpu.memory_space<vmem_shared>>)
          tpu.yield
        }) : () -> ()
        %add3A_119 = arith.constant 0 : i32
        %add3A_120 = arith.addi %add3A_105, %add3A_119 : i32
        %add3A_121 = arith.constant 4 : i32
        %add3A_122 = arith.addi %add3A_120, %add3A_121 : i32
        %lt3A = arith.constant 40 : i32
        %lt3A_123 = arith.cmpi slt, %add3A_122, %lt3A : i32
        %convert_element_type3A_124 = arith.extui %lt3A_123 : i1 to i32
        %cond3A_125 = arith.constant 0 : i32
        %cond3A_126 = arith.cmpi ne, %convert_element_type3A_124, %cond3A_125 : i32
        scf.if %cond3A_126 {
          %add3A_196 = arith.constant 0 : i32
          %add3A_197 = arith.addi %add3A_105, %add3A_196 : i32
          %add3A_198 = arith.constant 4 : i32
          %add3A_199 = arith.addi %add3A_197, %add3A_198 : i32
          %dma_start3A_200 = arith.constant 0 : i32
          %dma_start3A_201 = tpu.memref_slice %arg6[%add3A_199, %dma_start3A_200] : memref<40x125xi32, #tpu.memory_space<vmem>> -> memref<1x125xi32, #tpu.memory_space<vmem>>
          %dma_start3A_202 = tpu.memref_squeeze %dma_start3A_201 : memref<1x125xi32, #tpu.memory_space<vmem>> -> memref<125xi32, #tpu.memory_space<vmem>>
          %dma_start3A_203 = arith.constant 0 : i32
          %dma_start3A_204 = arith.constant 0 : i32
          %dma_start3A_205 = tpu.memref_slice %arg2[%arg0, %dma_start3A_203, %dma_start3A_204] : memref<2x10000x64xf32, #tpu.memory_space<hbm>> -> memref<1x10000x64xf32, #tpu.memory_space<hbm>>
          %dma_start3A_206 = tpu.memref_squeeze %dma_start3A_205 : memref<1x10000x64xf32, #tpu.memory_space<hbm>> -> memref<10000x64xf32, #tpu.memory_space<hbm>>
          %dma_start3A_207 = arith.constant 0 : i32
          %dma_start3A_208 = arith.constant 0 : i32
          %dma_start3A_209 = tpu.memref_slice %dma_start3A_206[%dma_start3A_207, %dma_start3A_208] : memref<10000x64xf32, #tpu.memory_space<hbm>> -> memref<10000x64xf32, #tpu.memory_space<hbm>>
          tpu.enqueue_indirect_dma source(%dma_start3A_209 : memref<10000x64xf32, #tpu.memory_space<hbm>>) target(%arg8 : memref<125x64xf32, #tpu.memory_space<vmem>>) offsets(%dma_start3A_202 : memref<125xi32, #tpu.memory_space<vmem>>) semaphore(%arg13 : memref<!tpu.dma_semaphore, #tpu.memory_space<semaphore_mem>>)
        } else {
        }
        %add3A_127 = arith.constant 1 : i32
        %add3A_128 = arith.addi %add3A_105, %add3A_127 : i32
        %dma_wait3A_129 = arith.constant 0 : i32
        %dma_wait3A_130 = tpu.memref_slice %arg6[%add3A_128, %dma_wait3A_129] : memref<40x125xi32, #tpu.memory_space<vmem>> -> memref<1x125xi32, #tpu.memory_space<vmem>>
        %dma_wait3A_131 = tpu.memref_squeeze %dma_wait3A_130 : memref<1x125xi32, #tpu.memory_space<vmem>> -> memref<125xi32, #tpu.memory_space<vmem>>
        %dma_wait3A_132 = arith.constant 0 : i32
        %dma_wait3A_133 = arith.constant 0 : i32
        %dma_wait3A_134 = tpu.memref_slice %arg2[%arg0, %dma_wait3A_132, %dma_wait3A_133] : memref<2x10000x64xf32, #tpu.memory_space<hbm>> -> memref<1x10000x64xf32, #tpu.memory_space<hbm>>
        %dma_wait3A_135 = tpu.memref_squeeze %dma_wait3A_134 : memref<1x10000x64xf32, #tpu.memory_space<hbm>> -> memref<10000x64xf32, #tpu.memory_space<hbm>>
        %dma_wait3A_136 = arith.constant 0 : i32
        %dma_wait3A_137 = arith.constant 0 : i32
        %dma_wait3A_138 = tpu.memref_slice %dma_wait3A_135[%dma_wait3A_136, %dma_wait3A_137] : memref<10000x64xf32, #tpu.memory_space<hbm>> -> memref<10000x64xf32, #tpu.memory_space<hbm>>
        tpu.wait_indirect_dma semaphore(%arg14 : memref<!tpu.dma_semaphore, #tpu.memory_space<semaphore_mem>>) src(%dma_wait3A_138 : memref<10000x64xf32, #tpu.memory_space<hbm>>) dst(%arg9 : memref<125x64xf32, #tpu.memory_space<vmem>>)
        %add3A_139 = arith.constant 1 : i32
        %add3A_140 = arith.addi %add3A_105, %add3A_139 : i32
        "tpu.region"() ({
          %run_scoped3A = tpu.sem_alloc : memref<!tpu.dma_semaphore, #tpu.memory_space<semaphore_mem>>
          %dma_start3A_196 = arith.constant 0 : i32
          %dma_start3A_197 = tpu.memref_slice %arg7[%add3A_140, %dma_start3A_196] : memref<40x125xi32, #tpu.memory_space<vmem>> -> memref<1x125xi32, #tpu.memory_space<vmem>>
          %dma_start3A_198 = tpu.memref_squeeze %dma_start3A_197 : memref<1x125xi32, #tpu.memory_space<vmem>> -> memref<125xi32, #tpu.memory_space<vmem>>
          %dma_start3A_199 = arith.constant 0 : i32
          %dma_start3A_200 = arith.constant 0 : i32
          %dma_start3A_201 = tpu.memref_slice %arg12[%dma_start3A_199, %dma_start3A_200] : memref<10000x64xf32, #tpu.memory_space<vmem_shared>> -> memref<10000x64xf32, #tpu.memory_space<vmem_shared>>
          tpu.enqueue_indirect_dma source(%arg9 : memref<125x64xf32, #tpu.memory_space<vmem>>) target(%dma_start3A_201 : memref<10000x64xf32, #tpu.memory_space<vmem_shared>>) offsets(%dma_start3A_198 : memref<125xi32, #tpu.memory_space<vmem>>) semaphore(%run_scoped3A : memref<!tpu.dma_semaphore, #tpu.memory_space<semaphore_mem>>) {add = true}
          %dma_wait3A_202 = arith.constant 0 : i32
          %dma_wait3A_203 = tpu.memref_slice %arg7[%add3A_140, %dma_wait3A_202] : memref<40x125xi32, #tpu.memory_space<vmem>> -> memref<1x125xi32, #tpu.memory_space<vmem>>
          %dma_wait3A_204 = tpu.memref_squeeze %dma_wait3A_203 : memref<1x125xi32, #tpu.memory_space<vmem>> -> memref<125xi32, #tpu.memory_space<vmem>>
          %dma_wait3A_205 = arith.constant 0 : i32
          %dma_wait3A_206 = arith.constant 0 : i32
          %dma_wait3A_207 = tpu.memref_slice %arg12[%dma_wait3A_205, %dma_wait3A_206] : memref<10000x64xf32, #tpu.memory_space<vmem_shared>> -> memref<10000x64xf32, #tpu.memory_space<vmem_shared>>
          tpu.wait_indirect_dma semaphore(%run_scoped3A : memref<!tpu.dma_semaphore, #tpu.memory_space<semaphore_mem>>) src(%arg9 : memref<125x64xf32, #tpu.memory_space<vmem>>) dst(%dma_wait3A_207 : memref<10000x64xf32, #tpu.memory_space<vmem_shared>>)
          tpu.yield
        }) : () -> ()
        %add3A_141 = arith.constant 1 : i32
        %add3A_142 = arith.addi %add3A_105, %add3A_141 : i32
        %add3A_143 = arith.constant 4 : i32
        %add3A_144 = arith.addi %add3A_142, %add3A_143 : i32
        %lt3A_145 = arith.constant 40 : i32
        %lt3A_146 = arith.cmpi slt, %add3A_144, %lt3A_145 : i32
        %convert_element_type3A_147 = arith.extui %lt3A_146 : i1 to i32
        %cond3A_148 = arith.constant 0 : i32
        %cond3A_149 = arith.cmpi ne, %convert_element_type3A_147, %cond3A_148 : i32
        scf.if %cond3A_149 {
          %add3A_196 = arith.constant 1 : i32
          %add3A_197 = arith.addi %add3A_105, %add3A_196 : i32
          %add3A_198 = arith.constant 4 : i32
          %add3A_199 = arith.addi %add3A_197, %add3A_198 : i32
          %dma_start3A_200 = arith.constant 0 : i32
          %dma_start3A_201 = tpu.memref_slice %arg6[%add3A_199, %dma_start3A_200] : memref<40x125xi32, #tpu.memory_space<vmem>> -> memref<1x125xi32, #tpu.memory_space<vmem>>
          %dma_start3A_202 = tpu.memref_squeeze %dma_start3A_201 : memref<1x125xi32, #tpu.memory_space<vmem>> -> memref<125xi32, #tpu.memory_space<vmem>>
          %dma_start3A_203 = arith.constant 0 : i32
          %dma_start3A_204 = arith.constant 0 : i32
          %dma_start3A_205 = tpu.memref_slice %arg2[%arg0, %dma_start3A_203, %dma_start3A_204] : memref<2x10000x64xf32, #tpu.memory_space<hbm>> -> memref<1x10000x64xf32, #tpu.memory_space<hbm>>
          %dma_start3A_206 = tpu.memref_squeeze %dma_start3A_205 : memref<1x10000x64xf32, #tpu.memory_space<hbm>> -> memref<10000x64xf32, #tpu.memory_space<hbm>>
          %dma_start3A_207 = arith.constant 0 : i32
          %dma_start3A_208 = arith.constant 0 : i32
          %dma_start3A_209 = tpu.memref_slice %dma_start3A_206[%dma_start3A_207, %dma_start3A_208] : memref<10000x64xf32, #tpu.memory_space<hbm>> -> memref<10000x64xf32, #tpu.memory_space<hbm>>
          tpu.enqueue_indirect_dma source(%dma_start3A_209 : memref<10000x64xf32, #tpu.memory_space<hbm>>) target(%arg9 : memref<125x64xf32, #tpu.memory_space<vmem>>) offsets(%dma_start3A_202 : memref<125xi32, #tpu.memory_space<vmem>>) semaphore(%arg14 : memref<!tpu.dma_semaphore, #tpu.memory_space<semaphore_mem>>)
        } else {
        }
        %add3A_150 = arith.constant 2 : i32
        %add3A_151 = arith.addi %add3A_105, %add3A_150 : i32
        %dma_wait3A_152 = arith.constant 0 : i32
        %dma_wait3A_153 = tpu.memref_slice %arg6[%add3A_151, %dma_wait3A_152] : memref<40x125xi32, #tpu.memory_space<vmem>> -> memref<1x125xi32, #tpu.memory_space<vmem>>
        %dma_wait3A_154 = tpu.memref_squeeze %dma_wait3A_153 : memref<1x125xi32, #tpu.memory_space<vmem>> -> memref<125xi32, #tpu.memory_space<vmem>>
        %dma_wait3A_155 = arith.constant 0 : i32
        %dma_wait3A_156 = arith.constant 0 : i32
        %dma_wait3A_157 = tpu.memref_slice %arg2[%arg0, %dma_wait3A_155, %dma_wait3A_156] : memref<2x10000x64xf32, #tpu.memory_space<hbm>> -> memref<1x10000x64xf32, #tpu.memory_space<hbm>>
        %dma_wait3A_158 = tpu.memref_squeeze %dma_wait3A_157 : memref<1x10000x64xf32, #tpu.memory_space<hbm>> -> memref<10000x64xf32, #tpu.memory_space<hbm>>
        %dma_wait3A_159 = arith.constant 0 : i32
        %dma_wait3A_160 = arith.constant 0 : i32
        %dma_wait3A_161 = tpu.memref_slice %dma_wait3A_158[%dma_wait3A_159, %dma_wait3A_160] : memref<10000x64xf32, #tpu.memory_space<hbm>> -> memref<10000x64xf32, #tpu.memory_space<hbm>>
        tpu.wait_indirect_dma semaphore(%arg15 : memref<!tpu.dma_semaphore, #tpu.memory_space<semaphore_mem>>) src(%dma_wait3A_161 : memref<10000x64xf32, #tpu.memory_space<hbm>>) dst(%arg10 : memref<125x64xf32, #tpu.memory_space<vmem>>)
        %add3A_162 = arith.constant 2 : i32
        %add3A_163 = arith.addi %add3A_105, %add3A_162 : i32
        "tpu.region"() ({
          %run_scoped3A = tpu.sem_alloc : memref<!tpu.dma_semaphore, #tpu.memory_space<semaphore_mem>>
          %dma_start3A_196 = arith.constant 0 : i32
          %dma_start3A_197 = tpu.memref_slice %arg7[%add3A_163, %dma_start3A_196] : memref<40x125xi32, #tpu.memory_space<vmem>> -> memref<1x125xi32, #tpu.memory_space<vmem>>
          %dma_start3A_198 = tpu.memref_squeeze %dma_start3A_197 : memref<1x125xi32, #tpu.memory_space<vmem>> -> memref<125xi32, #tpu.memory_space<vmem>>
          %dma_start3A_199 = arith.constant 0 : i32
          %dma_start3A_200 = arith.constant 0 : i32
          %dma_start3A_201 = tpu.memref_slice %arg12[%dma_start3A_199, %dma_start3A_200] : memref<10000x64xf32, #tpu.memory_space<vmem_shared>> -> memref<10000x64xf32, #tpu.memory_space<vmem_shared>>
          tpu.enqueue_indirect_dma source(%arg10 : memref<125x64xf32, #tpu.memory_space<vmem>>) target(%dma_start3A_201 : memref<10000x64xf32, #tpu.memory_space<vmem_shared>>) offsets(%dma_start3A_198 : memref<125xi32, #tpu.memory_space<vmem>>) semaphore(%run_scoped3A : memref<!tpu.dma_semaphore, #tpu.memory_space<semaphore_mem>>) {add = true}
          %dma_wait3A_202 = arith.constant 0 : i32
          %dma_wait3A_203 = tpu.memref_slice %arg7[%add3A_163, %dma_wait3A_202] : memref<40x125xi32, #tpu.memory_space<vmem>> -> memref<1x125xi32, #tpu.memory_space<vmem>>
          %dma_wait3A_204 = tpu.memref_squeeze %dma_wait3A_203 : memref<1x125xi32, #tpu.memory_space<vmem>> -> memref<125xi32, #tpu.memory_space<vmem>>
          %dma_wait3A_205 = arith.constant 0 : i32
          %dma_wait3A_206 = arith.constant 0 : i32
          %dma_wait3A_207 = tpu.memref_slice %arg12[%dma_wait3A_205, %dma_wait3A_206] : memref<10000x64xf32, #tpu.memory_space<vmem_shared>> -> memref<10000x64xf32, #tpu.memory_space<vmem_shared>>
          tpu.wait_indirect_dma semaphore(%run_scoped3A : memref<!tpu.dma_semaphore, #tpu.memory_space<semaphore_mem>>) src(%arg10 : memref<125x64xf32, #tpu.memory_space<vmem>>) dst(%dma_wait3A_207 : memref<10000x64xf32, #tpu.memory_space<vmem_shared>>)
          tpu.yield
        }) : () -> ()
        %add3A_164 = arith.constant 2 : i32
        %add3A_165 = arith.addi %add3A_105, %add3A_164 : i32
        %add3A_166 = arith.constant 4 : i32
        %add3A_167 = arith.addi %add3A_165, %add3A_166 : i32
        %lt3A_168 = arith.constant 40 : i32
        %lt3A_169 = arith.cmpi slt, %add3A_167, %lt3A_168 : i32
        %convert_element_type3A_170 = arith.extui %lt3A_169 : i1 to i32
        %cond3A_171 = arith.constant 0 : i32
        %cond3A_172 = arith.cmpi ne, %convert_element_type3A_170, %cond3A_171 : i32
        scf.if %cond3A_172 {
          %add3A_196 = arith.constant 2 : i32
          %add3A_197 = arith.addi %add3A_105, %add3A_196 : i32
          %add3A_198 = arith.constant 4 : i32
          %add3A_199 = arith.addi %add3A_197, %add3A_198 : i32
          %dma_start3A_200 = arith.constant 0 : i32
          %dma_start3A_201 = tpu.memref_slice %arg6[%add3A_199, %dma_start3A_200] : memref<40x125xi32, #tpu.memory_space<vmem>> -> memref<1x125xi32, #tpu.memory_space<vmem>>
          %dma_start3A_202 = tpu.memref_squeeze %dma_start3A_201 : memref<1x125xi32, #tpu.memory_space<vmem>> -> memref<125xi32, #tpu.memory_space<vmem>>
          %dma_start3A_203 = arith.constant 0 : i32
          %dma_start3A_204 = arith.constant 0 : i32
          %dma_start3A_205 = tpu.memref_slice %arg2[%arg0, %dma_start3A_203, %dma_start3A_204] : memref<2x10000x64xf32, #tpu.memory_space<hbm>> -> memref<1x10000x64xf32, #tpu.memory_space<hbm>>
          %dma_start3A_206 = tpu.memref_squeeze %dma_start3A_205 : memref<1x10000x64xf32, #tpu.memory_space<hbm>> -> memref<10000x64xf32, #tpu.memory_space<hbm>>
          %dma_start3A_207 = arith.constant 0 : i32
          %dma_start3A_208 = arith.constant 0 : i32
          %dma_start3A_209 = tpu.memref_slice %dma_start3A_206[%dma_start3A_207, %dma_start3A_208] : memref<10000x64xf32, #tpu.memory_space<hbm>> -> memref<10000x64xf32, #tpu.memory_space<hbm>>
          tpu.enqueue_indirect_dma source(%dma_start3A_209 : memref<10000x64xf32, #tpu.memory_space<hbm>>) target(%arg10 : memref<125x64xf32, #tpu.memory_space<vmem>>) offsets(%dma_start3A_202 : memref<125xi32, #tpu.memory_space<vmem>>) semaphore(%arg15 : memref<!tpu.dma_semaphore, #tpu.memory_space<semaphore_mem>>)
        } else {
        }
        %add3A_173 = arith.constant 3 : i32
        %add3A_174 = arith.addi %add3A_105, %add3A_173 : i32
        %dma_wait3A_175 = arith.constant 0 : i32
        %dma_wait3A_176 = tpu.memref_slice %arg6[%add3A_174, %dma_wait3A_175] : memref<40x125xi32, #tpu.memory_space<vmem>> -> memref<1x125xi32, #tpu.memory_space<vmem>>
        %dma_wait3A_177 = tpu.memref_squeeze %dma_wait3A_176 : memref<1x125xi32, #tpu.memory_space<vmem>> -> memref<125xi32, #tpu.memory_space<vmem>>
        %dma_wait3A_178 = arith.constant 0 : i32
        %dma_wait3A_179 = arith.constant 0 : i32
        %dma_wait3A_180 = tpu.memref_slice %arg2[%arg0, %dma_wait3A_178, %dma_wait3A_179] : memref<2x10000x64xf32, #tpu.memory_space<hbm>> -> memref<1x10000x64xf32, #tpu.memory_space<hbm>>
        %dma_wait3A_181 = tpu.memref_squeeze %dma_wait3A_180 : memref<1x10000x64xf32, #tpu.memory_space<hbm>> -> memref<10000x64xf32, #tpu.memory_space<hbm>>
        %dma_wait3A_182 = arith.constant 0 : i32
        %dma_wait3A_183 = arith.constant 0 : i32
        %dma_wait3A_184 = tpu.memref_slice %dma_wait3A_181[%dma_wait3A_182, %dma_wait3A_183] : memref<10000x64xf32, #tpu.memory_space<hbm>> -> memref<10000x64xf32, #tpu.memory_space<hbm>>
        tpu.wait_indirect_dma semaphore(%arg16 : memref<!tpu.dma_semaphore, #tpu.memory_space<semaphore_mem>>) src(%dma_wait3A_184 : memref<10000x64xf32, #tpu.memory_space<hbm>>) dst(%arg11 : memref<125x64xf32, #tpu.memory_space<vmem>>)
        %add3A_185 = arith.constant 3 : i32
        %add3A_186 = arith.addi %add3A_105, %add3A_185 : i32
        "tpu.region"() ({
          %run_scoped3A = tpu.sem_alloc : memref<!tpu.dma_semaphore, #tpu.memory_space<semaphore_mem>>
          %dma_start3A_196 = arith.constant 0 : i32
          %dma_start3A_197 = tpu.memref_slice %arg7[%add3A_186, %dma_start3A_196] : memref<40x125xi32, #tpu.memory_space<vmem>> -> memref<1x125xi32, #tpu.memory_space<vmem>>
          %dma_start3A_198 = tpu.memref_squeeze %dma_start3A_197 : memref<1x125xi32, #tpu.memory_space<vmem>> -> memref<125xi32, #tpu.memory_space<vmem>>
          %dma_start3A_199 = arith.constant 0 : i32
          %dma_start3A_200 = arith.constant 0 : i32
          %dma_start3A_201 = tpu.memref_slice %arg12[%dma_start3A_199, %dma_start3A_200] : memref<10000x64xf32, #tpu.memory_space<vmem_shared>> -> memref<10000x64xf32, #tpu.memory_space<vmem_shared>>
          tpu.enqueue_indirect_dma source(%arg11 : memref<125x64xf32, #tpu.memory_space<vmem>>) target(%dma_start3A_201 : memref<10000x64xf32, #tpu.memory_space<vmem_shared>>) offsets(%dma_start3A_198 : memref<125xi32, #tpu.memory_space<vmem>>) semaphore(%run_scoped3A : memref<!tpu.dma_semaphore, #tpu.memory_space<semaphore_mem>>) {add = true}
          %dma_wait3A_202 = arith.constant 0 : i32
          %dma_wait3A_203 = tpu.memref_slice %arg7[%add3A_186, %dma_wait3A_202] : memref<40x125xi32, #tpu.memory_space<vmem>> -> memref<1x125xi32, #tpu.memory_space<vmem>>
          %dma_wait3A_204 = tpu.memref_squeeze %dma_wait3A_203 : memref<1x125xi32, #tpu.memory_space<vmem>> -> memref<125xi32, #tpu.memory_space<vmem>>
          %dma_wait3A_205 = arith.constant 0 : i32
          %dma_wait3A_206 = arith.constant 0 : i32
          %dma_wait3A_207 = tpu.memref_slice %arg12[%dma_wait3A_205, %dma_wait3A_206] : memref<10000x64xf32, #tpu.memory_space<vmem_shared>> -> memref<10000x64xf32, #tpu.memory_space<vmem_shared>>
          tpu.wait_indirect_dma semaphore(%run_scoped3A : memref<!tpu.dma_semaphore, #tpu.memory_space<semaphore_mem>>) src(%arg11 : memref<125x64xf32, #tpu.memory_space<vmem>>) dst(%dma_wait3A_207 : memref<10000x64xf32, #tpu.memory_space<vmem_shared>>)
          tpu.yield
        }) : () -> ()
        %add3A_187 = arith.constant 3 : i32
        %add3A_188 = arith.addi %add3A_105, %add3A_187 : i32
        %add3A_189 = arith.constant 4 : i32
        %add3A_190 = arith.addi %add3A_188, %add3A_189 : i32
        %lt3A_191 = arith.constant 40 : i32
        %lt3A_192 = arith.cmpi slt, %add3A_190, %lt3A_191 : i32
        %convert_element_type3A_193 = arith.extui %lt3A_192 : i1 to i32
        %cond3A_194 = arith.constant 0 : i32
        %cond3A_195 = arith.cmpi ne, %convert_element_type3A_193, %cond3A_194 : i32
        scf.if %cond3A_195 {
          %add3A_196 = arith.constant 3 : i32
          %add3A_197 = arith.addi %add3A_105, %add3A_196 : i32
          %add3A_198 = arith.constant 4 : i32
          %add3A_199 = arith.addi %add3A_197, %add3A_198 : i32
          %dma_start3A_200 = arith.constant 0 : i32
          %dma_start3A_201 = tpu.memref_slice %arg6[%add3A_199, %dma_start3A_200] : memref<40x125xi32, #tpu.memory_space<vmem>> -> memref<1x125xi32, #tpu.memory_space<vmem>>
          %dma_start3A_202 = tpu.memref_squeeze %dma_start3A_201 : memref<1x125xi32, #tpu.memory_space<vmem>> -> memref<125xi32, #tpu.memory_space<vmem>>
          %dma_start3A_203 = arith.constant 0 : i32
          %dma_start3A_204 = arith.constant 0 : i32
          %dma_start3A_205 = tpu.memref_slice %arg2[%arg0, %dma_start3A_203, %dma_start3A_204] : memref<2x10000x64xf32, #tpu.memory_space<hbm>> -> memref<1x10000x64xf32, #tpu.memory_space<hbm>>
          %dma_start3A_206 = tpu.memref_squeeze %dma_start3A_205 : memref<1x10000x64xf32, #tpu.memory_space<hbm>> -> memref<10000x64xf32, #tpu.memory_space<hbm>>
          %dma_start3A_207 = arith.constant 0 : i32
          %dma_start3A_208 = arith.constant 0 : i32
          %dma_start3A_209 = tpu.memref_slice %dma_start3A_206[%dma_start3A_207, %dma_start3A_208] : memref<10000x64xf32, #tpu.memory_space<hbm>> -> memref<10000x64xf32, #tpu.memory_space<hbm>>
          tpu.enqueue_indirect_dma source(%dma_start3A_209 : memref<10000x64xf32, #tpu.memory_space<hbm>>) target(%arg11 : memref<125x64xf32, #tpu.memory_space<vmem>>) offsets(%dma_start3A_202 : memref<125xi32, #tpu.memory_space<vmem>>) semaphore(%arg16 : memref<!tpu.dma_semaphore, #tpu.memory_space<semaphore_mem>>)
        } else {
        }
      }
      %scan3A_100 = arith.constant 10 : i32
    }
    %scan3A_33 = arith.constant 4 : i32
    %barrier3A_34 = arith.constant 0 : index
    tpu.barrier barrier_id(%barrier3A_34)
    %mul3A_35 = arith.constant 624 : i32
    %mul3A_36 = arith.muli %arg1, %mul3A_35 : i32
    %mul3A_37 = arith.constant 624 : i32
    %mul3A_38 = arith.muli %arg1, %mul3A_37 : i32
    "tpu.region"() ({
      %run_scoped3A = tpu.sem_alloc : memref<!tpu.dma_semaphore, #tpu.memory_space<semaphore_mem>>
      %dma_start3A = arith.constant 0 : i32
      %dma_start3A_44 = arith.constant 0 : i32
      %dma_start3A_45 = tpu.memref_slice %arg5[%arg0, %dma_start3A, %dma_start3A_44] : memref<2x10000x64xf32, #tpu.memory_space<hbm>> -> memref<1x10000x64xf32, #tpu.memory_space<hbm>>
      %dma_start3A_46 = tpu.memref_squeeze %dma_start3A_45 : memref<1x10000x64xf32, #tpu.memory_space<hbm>> -> memref<10000x64xf32, #tpu.memory_space<hbm>>
      %dma_start3A_47 = arith.constant 0 : i32
      %dma_start3A_48 = tpu.memref_slice %dma_start3A_46[%mul3A_38, %dma_start3A_47] : memref<10000x64xf32, #tpu.memory_space<hbm>> -> memref<624x64xf32, #tpu.memory_space<hbm>>
      %dma_start3A_49 = arith.constant 0 : i32
      %dma_start3A_50 = tpu.memref_slice %arg12[%mul3A_36, %dma_start3A_49] : memref<10000x64xf32, #tpu.memory_space<vmem_shared>> -> memref<624x64xf32, #tpu.memory_space<vmem_shared>>
      tpu.enqueue_dma source(%dma_start3A_50 : memref<624x64xf32, #tpu.memory_space<vmem_shared>>) target(%dma_start3A_48 : memref<624x64xf32, #tpu.memory_space<hbm>>) target_semaphore(%run_scoped3A : memref<!tpu.dma_semaphore, #tpu.memory_space<semaphore_mem>>)
      %dma_wait3A = arith.constant 0 : i32
      %dma_wait3A_51 = arith.constant 0 : i32
      %dma_wait3A_52 = tpu.memref_slice %arg5[%arg0, %dma_wait3A, %dma_wait3A_51] : memref<2x10000x64xf32, #tpu.memory_space<hbm>> -> memref<1x10000x64xf32, #tpu.memory_space<hbm>>
      %dma_wait3A_53 = tpu.memref_squeeze %dma_wait3A_52 : memref<1x10000x64xf32, #tpu.memory_space<hbm>> -> memref<10000x64xf32, #tpu.memory_space<hbm>>
      %dma_wait3A_54 = arith.constant 0 : i32
      %dma_wait3A_55 = tpu.memref_slice %dma_wait3A_53[%mul3A_38, %dma_wait3A_54] : memref<10000x64xf32, #tpu.memory_space<hbm>> -> memref<624x64xf32, #tpu.memory_space<hbm>>
      %dma_wait3A_56 = arith.constant 0 : i32
      %dma_wait3A_57 = tpu.memref_slice %arg12[%mul3A_36, %dma_wait3A_56] : memref<10000x64xf32, #tpu.memory_space<vmem_shared>> -> memref<624x64xf32, #tpu.memory_space<vmem_shared>>
      tpu.wait_dma2 semaphore(%run_scoped3A : memref<!tpu.dma_semaphore, #tpu.memory_space<semaphore_mem>>) src(%dma_wait3A_57 : memref<624x64xf32, #tpu.memory_space<vmem_shared>>) dst(%dma_wait3A_55 : memref<624x64xf32, #tpu.memory_space<hbm>>)
      tpu.yield
    }) : () -> ()
    %eq3A_39 = arith.constant 0 : i32
    %eq3A_40 = arith.cmpi eq, %arg1, %eq3A_39 : i32
    %convert_element_type3A_41 = arith.extui %eq3A_40 : i1 to i32
    %cond3A_42 = arith.constant 0 : i32
    %cond3A_43 = arith.cmpi ne, %convert_element_type3A_41, %cond3A_42 : i32
    scf.if %cond3A_43 {
      "tpu.region"() ({
        %run_scoped3A = tpu.sem_alloc : memref<!tpu.dma_semaphore, #tpu.memory_space<semaphore_mem>>
        %dma_start3A = arith.constant 0 : i32
        %dma_start3A_44 = arith.constant 0 : i32
        %dma_start3A_45 = tpu.memref_slice %arg5[%arg0, %dma_start3A, %dma_start3A_44] : memref<2x10000x64xf32, #tpu.memory_space<hbm>> -> memref<1x10000x64xf32, #tpu.memory_space<hbm>>
        %dma_start3A_46 = tpu.memref_squeeze %dma_start3A_45 : memref<1x10000x64xf32, #tpu.memory_space<hbm>> -> memref<10000x64xf32, #tpu.memory_space<hbm>>
        %dma_start3A_47 = arith.constant 9984 : i32
        %dma_start3A_48 = arith.constant 0 : i32
        %dma_start3A_49 = tpu.memref_slice %dma_start3A_46[%dma_start3A_47, %dma_start3A_48] : memref<10000x64xf32, #tpu.memory_space<hbm>> -> memref<16x64xf32, #tpu.memory_space<hbm>>
        %dma_start3A_50 = arith.constant 9984 : i32
        %dma_start3A_51 = arith.constant 0 : i32
        %dma_start3A_52 = tpu.memref_slice %arg12[%dma_start3A_50, %dma_start3A_51] : memref<10000x64xf32, #tpu.memory_space<vmem_shared>> -> memref<16x64xf32, #tpu.memory_space<vmem_shared>>
        tpu.enqueue_dma source(%dma_start3A_52 : memref<16x64xf32, #tpu.memory_space<vmem_shared>>) target(%dma_start3A_49 : memref<16x64xf32, #tpu.memory_space<hbm>>) target_semaphore(%run_scoped3A : memref<!tpu.dma_semaphore, #tpu.memory_space<semaphore_mem>>)
        %dma_wait3A = arith.constant 0 : i32
        %dma_wait3A_53 = arith.constant 0 : i32
        %dma_wait3A_54 = tpu.memref_slice %arg5[%arg0, %dma_wait3A, %dma_wait3A_53] : memref<2x10000x64xf32, #tpu.memory_space<hbm>> -> memref<1x10000x64xf32, #tpu.memory_space<hbm>>
        %dma_wait3A_55 = tpu.memref_squeeze %dma_wait3A_54 : memref<1x10000x64xf32, #tpu.memory_space<hbm>> -> memref<10000x64xf32, #tpu.memory_space<hbm>>
        %dma_wait3A_56 = arith.constant 9984 : i32
        %dma_wait3A_57 = arith.constant 0 : i32
        %dma_wait3A_58 = tpu.memref_slice %dma_wait3A_55[%dma_wait3A_56, %dma_wait3A_57] : memref<10000x64xf32, #tpu.memory_space<hbm>> -> memref<16x64xf32, #tpu.memory_space<hbm>>
        %dma_wait3A_59 = arith.constant 9984 : i32
        %dma_wait3A_60 = arith.constant 0 : i32
        %dma_wait3A_61 = tpu.memref_slice %arg12[%dma_wait3A_59, %dma_wait3A_60] : memref<10000x64xf32, #tpu.memory_space<vmem_shared>> -> memref<16x64xf32, #tpu.memory_space<vmem_shared>>
        tpu.wait_dma2 semaphore(%run_scoped3A : memref<!tpu.dma_semaphore, #tpu.memory_space<semaphore_mem>>) src(%dma_wait3A_61 : memref<16x64xf32, #tpu.memory_space<vmem_shared>>) dst(%dma_wait3A_58 : memref<16x64xf32, #tpu.memory_space<hbm>>)
        tpu.yield
      }) : () -> ()
    } else {
    }
    return
  }
}

module attributes {stable_mosaic.version = 14 : i64} {
  func.func @body(%arg0: i32, %arg1: memref<2x1000x64xf32, #tpu.memory_space<vmem>>, %arg2: memref<2x1000x64xf32, #tpu.memory_space<vmem>>, %arg3: memref<128x128xf32, #tpu.memory_space<vmem>>, %arg4: memref<1x128xf32, #tpu.memory_space<vmem>>, %arg5: memref<128x128xf32, #tpu.memory_space<vmem>>, %arg6: memref<1x128xf32, #tpu.memory_space<vmem>>, %arg7: memref<2x1000x64xf32, #tpu.memory_space<vmem>>) attributes {dimension_semantics = [#tpu.dimension_semantics<arbitrary>], iteration_bounds = array<i64: 10>, scalar_prefetch = 0 : i64, scratch_operands = 0 : i64, tpu.core_type = #tpu.core_type<tc>, window_params = [{transform_indices = @transform_0, window_bounds = array<i64: 2, 1000, 64>}, {transform_indices = @transform_1, window_bounds = array<i64: 2, 1000, 64>}, {pipeline_mode = #tpu.pipeline_mode<synchronous>, transform_indices = @transform_2, window_bounds = array<i64: 128, 128>}, {pipeline_mode = #tpu.pipeline_mode<synchronous>, transform_indices = @transform_3, window_bounds = array<i64: 1, 128>}, {pipeline_mode = #tpu.pipeline_mode<synchronous>, transform_indices = @transform_4, window_bounds = array<i64: 128, 128>}, {pipeline_mode = #tpu.pipeline_mode<synchronous>, transform_indices = @transform_5, window_bounds = array<i64: 1, 128>}, {transform_indices = @transform_6, window_bounds = array<i64: 2, 1000, 64>}]} {
    %get3A = arith.constant 0 : index
    %get3A_0 = arith.constant 0 : index
    %get3A_1 = arith.constant 0 : index
    %get3A_2 = vector.load %arg1[%get3A, %get3A_0, %get3A_1] : memref<2x1000x64xf32, #tpu.memory_space<vmem>>, vector<1x1000x64xf32>
    %get3A_3 = vector.shape_cast %get3A_2 : vector<1x1000x64xf32> to vector<1000x64xf32>
    %get3A_4 = arith.constant 0 : index
    %get3A_5 = arith.constant 0 : index
    %get3A_6 = arith.constant 0 : index
    %get3A_7 = vector.load %arg2[%get3A_4, %get3A_5, %get3A_6] : memref<2x1000x64xf32, #tpu.memory_space<vmem>>, vector<1x1000x64xf32>
    %get3A_8 = vector.shape_cast %get3A_7 : vector<1x1000x64xf32> to vector<1000x64xf32>
    %add3A = arith.addf %get3A_3, %get3A_8 : vector<1000x64xf32>
    %get3A_9 = arith.constant 1 : index
    %get3A_10 = arith.constant 0 : index
    %get3A_11 = arith.constant 0 : index
    %get3A_12 = vector.load %arg1[%get3A_9, %get3A_10, %get3A_11] : memref<2x1000x64xf32, #tpu.memory_space<vmem>>, vector<1x1000x64xf32>
    %get3A_13 = vector.shape_cast %get3A_12 : vector<1x1000x64xf32> to vector<1000x64xf32>
    %get3A_14 = arith.constant 1 : index
    %get3A_15 = arith.constant 0 : index
    %get3A_16 = arith.constant 0 : index
    %get3A_17 = vector.load %arg2[%get3A_14, %get3A_15, %get3A_16] : memref<2x1000x64xf32, #tpu.memory_space<vmem>>, vector<1x1000x64xf32>
    %get3A_18 = vector.shape_cast %get3A_17 : vector<1x1000x64xf32> to vector<1000x64xf32>
    %add3A_19 = arith.addf %get3A_13, %get3A_18 : vector<1000x64xf32>
    %concatenate3A = tpu.concatenate %add3A, %add3A_19 in 1 : vector<1000x64xf32>, vector<1000x64xf32> -> vector<1000x128xf32>
    %get3A_20 = arith.constant 0 : index
    %get3A_21 = arith.constant 0 : index
    %get3A_22 = vector.load %arg3[%get3A_20, %get3A_21] : memref<128x128xf32, #tpu.memory_space<vmem>>, vector<128x128xf32>
    %dot_general3A = arith.constant dense<0.000000e+00> : vector<1000x128xf32>
    %dot_general3A_23 = tpu.matmul %concatenate3A, %get3A_22, %dot_general3A {dimension_numbers = #tpu.dot_dimension_numbers<[1], [0], [0], [1], [0, 0, 1, 1], [], []>, transpose_lhs_hint = false} : vector<1000x128xf32>, vector<128x128xf32>, vector<1000x128xf32> -> vector<1000x128xf32>
    %get3A_24 = arith.constant 0 : index
    %get3A_25 = arith.constant 0 : index
    %get3A_26 = vector.load %arg4[%get3A_24, %get3A_25] : memref<1x128xf32, #tpu.memory_space<vmem>>, vector<1x128xf32>
    %add3A_27 = vector.broadcast %get3A_26 : vector<1x128xf32> to vector<1000x128xf32>
    %add3A_28 = arith.addf %dot_general3A_23, %add3A_27 : vector<1000x128xf32>
    %max3A = arith.constant 0.000000e+00 : f32
    %max3A_29 = vector.broadcast %max3A : f32 to vector<1000x128xf32>
    %max3A_30 = arith.maximumf %add3A_28, %max3A_29 : vector<1000x128xf32>
    %get3A_31 = arith.constant 0 : index
    %get3A_32 = arith.constant 0 : index
    %get3A_33 = vector.load %arg5[%get3A_31, %get3A_32] : memref<128x128xf32, #tpu.memory_space<vmem>>, vector<128x128xf32>
    %dot_general3A_34 = arith.constant dense<0.000000e+00> : vector<1000x128xf32>
    %dot_general3A_35 = tpu.matmul %max3A_30, %get3A_33, %dot_general3A_34 {dimension_numbers = #tpu.dot_dimension_numbers<[1], [0], [0], [1], [0, 0, 1, 1], [], []>, transpose_lhs_hint = false} : vector<1000x128xf32>, vector<128x128xf32>, vector<1000x128xf32> -> vector<1000x128xf32>
    %get3A_36 = arith.constant 0 : index
    %get3A_37 = arith.constant 0 : index
    %get3A_38 = vector.load %arg6[%get3A_36, %get3A_37] : memref<1x128xf32, #tpu.memory_space<vmem>>, vector<1x128xf32>
    %add3A_39 = vector.broadcast %get3A_38 : vector<1x128xf32> to vector<1000x128xf32>
    %add3A_40 = arith.addf %dot_general3A_35, %add3A_39 : vector<1000x128xf32>
    %max3A_41 = arith.constant 0.000000e+00 : f32
    %max3A_42 = vector.broadcast %max3A_41 : f32 to vector<1000x128xf32>
    %max3A_43 = arith.maximumf %add3A_40, %max3A_42 : vector<1000x128xf32>
    %slice3A = vector.extract_strided_slice %max3A_43 {offsets = [0, 0], sizes = [1000, 64], strides = [1, 1]} : vector<1000x128xf32> to vector<1000x64xf32>
    %swap3A = arith.constant 0 : index
    %swap3A_44 = arith.constant 0 : index
    %swap3A_45 = arith.constant 0 : index
    %swap3A_46 = vector.load %arg7[%swap3A, %swap3A_44, %swap3A_45] : memref<2x1000x64xf32, #tpu.memory_space<vmem>>, vector<1x1000x64xf32>
    %swap3A_47 = vector.shape_cast %swap3A_46 : vector<1x1000x64xf32> to vector<1000x64xf32>
    %swap3A_48 = vector.shape_cast %slice3A : vector<1000x64xf32> to vector<1x1000x64xf32>
    tpu.vector_store %arg7[%swap3A, %swap3A_44, %swap3A_45], %swap3A_48 {strides = array<i32>} : memref<2x1000x64xf32, #tpu.memory_space<vmem>>, vector<1x1000x64xf32>,
    %slice3A_49 = vector.extract_strided_slice %max3A_43 {offsets = [0, 64], sizes = [1000, 64], strides = [1, 1]} : vector<1000x128xf32> to vector<1000x64xf32>
    %swap3A_50 = arith.constant 1 : index
    %swap3A_51 = arith.constant 0 : index
    %swap3A_52 = arith.constant 0 : index
    %swap3A_53 = vector.load %arg7[%swap3A_50, %swap3A_51, %swap3A_52] : memref<2x1000x64xf32, #tpu.memory_space<vmem>>, vector<1x1000x64xf32>
    %swap3A_54 = vector.shape_cast %swap3A_53 : vector<1x1000x64xf32> to vector<1000x64xf32>
    %swap3A_55 = vector.shape_cast %slice3A_49 : vector<1000x64xf32> to vector<1x1000x64xf32>
    tpu.vector_store %arg7[%swap3A_50, %swap3A_51, %swap3A_52], %swap3A_55 {strides = array<i32>} : memref<2x1000x64xf32, #tpu.memory_space<vmem>>, vector<1x1000x64xf32>,
    return
  }
  func.func @transform_0(%arg0: i32) -> (i32, i32, i32) {
    %c0_i32 = arith.constant 0 : i32
    %c0_i32_0 = arith.constant 0 : i32
    %c0_i32_1 = arith.constant 0 : i32
    return %c0_i32, %arg0, %c0_i32_0 : i32, i32, i32
  }
  func.func @transform_1(%arg0: i32) -> (i32, i32, i32) {
    %c0_i32 = arith.constant 0 : i32
    %c0_i32_0 = arith.constant 0 : i32
    %c0_i32_1 = arith.constant 0 : i32
    return %c0_i32, %arg0, %c0_i32_0 : i32, i32, i32
  }
  func.func @transform_2(%arg0: i32) -> (i32, i32) {
    %c0_i32 = arith.constant 0 : i32
    %c0_i32_0 = arith.constant 0 : i32
    %c0_i32_1 = arith.constant 0 : i32
    return %c0_i32, %c0_i32_0 : i32, i32
  }
  func.func @transform_3(%arg0: i32) -> (i32, i32) {
    %c0_i32 = arith.constant 0 : i32
    %c0_i32_0 = arith.constant 0 : i32
    %c0_i32_1 = arith.constant 0 : i32
    return %c0_i32, %c0_i32_0 : i32, i32
  }
  func.func @transform_4(%arg0: i32) -> (i32, i32) {
    %c0_i32 = arith.constant 0 : i32
    %c0_i32_0 = arith.constant 0 : i32
    %c0_i32_1 = arith.constant 0 : i32
    return %c0_i32, %c0_i32_0 : i32, i32
  }
  func.func @transform_5(%arg0: i32) -> (i32, i32) {
    %c0_i32 = arith.constant 0 : i32
    %c0_i32_0 = arith.constant 0 : i32
    %c0_i32_1 = arith.constant 0 : i32
    return %c0_i32, %c0_i32_0 : i32, i32
  }
  func.func @transform_6(%arg0: i32) -> (i32, i32, i32) {
    %c0_i32 = arith.constant 0 : i32
    %c0_i32_0 = arith.constant 0 : i32
    %c0_i32_1 = arith.constant 0 : i32
    return %c0_i32, %arg0, %c0_i32_0 : i32, i32, i32
  }
}

module attributes {stable_mosaic.version = 14 : i64} {
  func.func @body(%arg0: i32, %arg1: memref<2x1000x64xf32, #tpu.memory_space<vmem>>, %arg2: memref<1x1x1000xi32, #tpu.memory_space<vmem>>, %arg3: memref<64x128xf32, #tpu.memory_space<vmem>>, %arg4: memref<64x128xf32, #tpu.memory_space<vmem>>, %arg5: memref<64x128xf32, #tpu.memory_space<vmem>>) attributes {dimension_semantics = [#tpu.dimension_semantics<arbitrary>], iteration_bounds = array<i64: 10>, scalar_prefetch = 0 : i64, scratch_operands = 2 : i64, tpu.core_type = #tpu.core_type<tc>, window_params = [{transform_indices = @transform_0, window_bounds = array<i64: 2, 1000, 64>}, {transform_indices = @transform_1, window_bounds = array<i64: 1, 1, 1000>}, {pipeline_mode = #tpu.pipeline_mode<synchronous>, transform_indices = @transform_2, window_bounds = array<i64: 64, 128>}]} {
    %eq3A = arith.constant 0 : i32
    %eq3A_0 = arith.cmpi eq, %arg0, %eq3A : i32
    %convert_element_type3A = arith.extui %eq3A_0 : i1 to i32
    %cond3A = arith.constant 0 : i32
    %cond3A_1 = arith.cmpi ne, %convert_element_type3A, %cond3A : i32
    scf.if %cond3A_1 {
      %broadcast_in_dim3A_42 = arith.constant 0.000000e+00 : f32
      %broadcast_in_dim3A_43 = vector.broadcast %broadcast_in_dim3A_42 : f32 to vector<64x128xf32>
      %swap3A_44 = arith.constant 0 : index
      %swap3A_45 = arith.constant 0 : index
      %swap3A_46 = vector.load %arg4[%swap3A_44, %swap3A_45] : memref<64x128xf32, #tpu.memory_space<vmem>>, vector<64x128xf32>
      tpu.vector_store %arg4[%swap3A_44, %swap3A_45], %broadcast_in_dim3A_43 {strides = array<i32>} : memref<64x128xf32, #tpu.memory_space<vmem>>, vector<64x128xf32>,
      %broadcast_in_dim3A_47 = arith.constant 0.000000e+00 : f32
      %broadcast_in_dim3A_48 = vector.broadcast %broadcast_in_dim3A_47 : f32 to vector<64x128xf32>
      %swap3A_49 = arith.constant 0 : index
      %swap3A_50 = arith.constant 0 : index
      %swap3A_51 = vector.load %arg5[%swap3A_49, %swap3A_50] : memref<64x128xf32, #tpu.memory_space<vmem>>, vector<64x128xf32>
      tpu.vector_store %arg5[%swap3A_49, %swap3A_50], %broadcast_in_dim3A_48 {strides = array<i32>} : memref<64x128xf32, #tpu.memory_space<vmem>>, vector<64x128xf32>,
    } else {
    }
    %get3A = arith.constant 0 : index
    %get3A_2 = arith.constant 0 : index
    %get3A_3 = arith.constant 0 : index
    %get3A_4 = vector.load %arg1[%get3A, %get3A_2, %get3A_3] : memref<2x1000x64xf32, #tpu.memory_space<vmem>>, vector<1x1000x64xf32>
    %get3A_5 = vector.shape_cast %get3A_4 : vector<1x1000x64xf32> to vector<1000x64xf32>
    %get3A_6 = arith.constant 1 : index
    %get3A_7 = arith.constant 0 : index
    %get3A_8 = arith.constant 0 : index
    %get3A_9 = vector.load %arg1[%get3A_6, %get3A_7, %get3A_8] : memref<2x1000x64xf32, #tpu.memory_space<vmem>>, vector<1x1000x64xf32>
    %get3A_10 = vector.shape_cast %get3A_9 : vector<1x1000x64xf32> to vector<1000x64xf32>
    %concatenate3A = tpu.concatenate %get3A_5, %get3A_10 in 1 : vector<1000x64xf32>, vector<1000x64xf32> -> vector<1000x128xf32>
    %get3A_11 = arith.constant 0 : index
    %get3A_12 = arith.constant 0 : index
    %get3A_13 = arith.constant 0 : index
    %get3A_14 = vector.load %arg2[%get3A_11, %get3A_12, %get3A_13] : memref<1x1x1000xi32, #tpu.memory_space<vmem>>, vector<1x1x1000xi32>
    %get3A_15 = vector.shape_cast %get3A_14 : vector<1x1x1000xi32> to vector<1000xi32>
    %iota3A = tpu.iota {dimensions = array<i32: 1>} : vector<1000x64xi32>
    %broadcast_in_dim3A = vector.shape_cast %get3A_15 : vector<1000xi32> to vector<1000x1xi32>
    %eq3A_16 = vector.broadcast %broadcast_in_dim3A : vector<1000x1xi32> to vector<1000x64xi32>
    %eq3A_17 = arith.cmpi eq, %eq3A_16, %iota3A : vector<1000x64xi32>
    %convert_element_type3A_18 = arith.extui %eq3A_17 : vector<1000x64xi1> to vector<1000x64xi32>
    %convert_element_type3A_19 = arith.sitofp %convert_element_type3A_18 : vector<1000x64xi32> to vector<1000x64xf32>
    %get3A_20 = arith.constant 0 : index
    %get3A_21 = arith.constant 0 : index
    %get3A_22 = vector.load %arg4[%get3A_20, %get3A_21] : memref<64x128xf32, #tpu.memory_space<vmem>>, vector<64x128xf32>
    %dot_general3A = arith.constant dense<0.000000e+00> : vector<64x128xf32>
    %dot_general3A_23 = tpu.matmul %convert_element_type3A_19, %concatenate3A, %dot_general3A {dimension_numbers = #tpu.dot_dimension_numbers<[0], [0], [1], [1], [0, 1, 1, 1], [], []>, transpose_lhs_hint = false} : vector<1000x64xf32>, vector<1000x128xf32>, vector<64x128xf32> -> vector<64x128xf32>
    %add3A = arith.addf %get3A_22, %dot_general3A_23 : vector<64x128xf32>
    %swap3A = arith.constant 0 : index
    %swap3A_24 = arith.constant 0 : index
    %swap3A_25 = vector.load %arg4[%swap3A, %swap3A_24] : memref<64x128xf32, #tpu.memory_space<vmem>>, vector<64x128xf32>
    tpu.vector_store %arg4[%swap3A, %swap3A_24], %add3A {strides = array<i32>} : memref<64x128xf32, #tpu.memory_space<vmem>>, vector<64x128xf32>,
    %get3A_26 = arith.constant 0 : index
    %get3A_27 = arith.constant 0 : index
    %get3A_28 = vector.load %arg5[%get3A_26, %get3A_27] : memref<64x128xf32, #tpu.memory_space<vmem>>, vector<64x128xf32>
    %reduce_sum3A = arith.constant dense<0.000000e+00> : vector<64xf32>
    %reduce_sum3A_29 = vector.multi_reduction <add>, %convert_element_type3A_19, %reduce_sum3A [0] : vector<1000x64xf32> to vector<64xf32>
    %broadcast_in_dim3A_30 = vector.shape_cast %reduce_sum3A_29 : vector<64xf32> to vector<64x1xf32>
    %broadcast_in_dim3A_31 = vector.shape_cast %broadcast_in_dim3A_30 : vector<64x1xf32> to vector<64x1xf32>
    %broadcast_in_dim3A_32 = vector.broadcast %broadcast_in_dim3A_31 : vector<64x1xf32> to vector<64x128xf32>
    %add3A_33 = arith.addf %get3A_28, %broadcast_in_dim3A_32 : vector<64x128xf32>
    %swap3A_34 = arith.constant 0 : index
    %swap3A_35 = arith.constant 0 : index
    %swap3A_36 = vector.load %arg5[%swap3A_34, %swap3A_35] : memref<64x128xf32, #tpu.memory_space<vmem>>, vector<64x128xf32>
    tpu.vector_store %arg5[%swap3A_34, %swap3A_35], %add3A_33 {strides = array<i32>} : memref<64x128xf32, #tpu.memory_space<vmem>>, vector<64x128xf32>,
    %eq3A_37 = arith.constant 9 : i32
    %eq3A_38 = arith.cmpi eq, %arg0, %eq3A_37 : i32
    %convert_element_type3A_39 = arith.extui %eq3A_38 : i1 to i32
    %cond3A_40 = arith.constant 0 : i32
    %cond3A_41 = arith.cmpi ne, %convert_element_type3A_39, %cond3A_40 : i32
    scf.if %cond3A_41 {
      %get3A_42 = arith.constant 0 : index
      %get3A_43 = arith.constant 0 : index
      %get3A_44 = vector.load %arg4[%get3A_42, %get3A_43] : memref<64x128xf32, #tpu.memory_space<vmem>>, vector<64x128xf32>
      %get3A_45 = arith.constant 0 : index
      %get3A_46 = arith.constant 0 : index
      %get3A_47 = vector.load %arg5[%get3A_45, %get3A_46] : memref<64x128xf32, #tpu.memory_space<vmem>>, vector<64x128xf32>
      %max3A = arith.constant 1.000000e+00 : f32
      %max3A_48 = vector.broadcast %max3A : f32 to vector<64x128xf32>
      %max3A_49 = arith.maximumf %get3A_47, %max3A_48 : vector<64x128xf32>
      %div3A = arith.divf %get3A_44, %max3A_49 : vector<64x128xf32>
      %swap3A_50 = arith.constant 0 : index
      %swap3A_51 = arith.constant 0 : index
      %swap3A_52 = vector.load %arg3[%swap3A_50, %swap3A_51] : memref<64x128xf32, #tpu.memory_space<vmem>>, vector<64x128xf32>
      tpu.vector_store %arg3[%swap3A_50, %swap3A_51], %div3A {strides = array<i32>} : memref<64x128xf32, #tpu.memory_space<vmem>>, vector<64x128xf32>,
    } else {
    }
    return
  }
  func.func @transform_0(%arg0: i32) -> (i32, i32, i32) {
    %c0_i32 = arith.constant 0 : i32
    %c0_i32_0 = arith.constant 0 : i32
    %c0_i32_1 = arith.constant 0 : i32
    return %c0_i32, %arg0, %c0_i32_0 : i32, i32, i32
  }
  func.func @transform_1(%arg0: i32) -> (i32, i32, i32) {
    %c0_i32 = arith.constant 0 : i32
    %c0_i32_0 = arith.constant 0 : i32
    %c0_i32_1 = arith.constant 0 : i32
    return %arg0, %c0_i32, %c0_i32_0 : i32, i32, i32
  }
  func.func @transform_2(%arg0: i32) -> (i32, i32) {
    %c0_i32 = arith.constant 0 : i32
    %c0_i32_0 = arith.constant 0 : i32
    %c0_i32_1 = arith.constant 0 : i32
    return %c0_i32, %c0_i32_0 : i32, i32
  }
}

</mosaic_0001>

<sc_bundles>
// kernel: closed_call.9.cloned.1.call-start
scs
__scs_entry_jumppad:
0x0: {  	(pc) =	sbr.rel $0x88, $3  }
0x1: {  	(tag) =	ssettag $0x0;
	lr =	simm.s32 $0x1  }
0x2: {  	[smem:$0x3F96] =	sst lr;
	_ =	strace $0xD0000000  }
0x3: {  	_ = 	snop  }
0x4: {  	_ = 	snop  }
0x5: {  	_ = 	snop  }
0x6: {  	_ = 	snop  }
0x7: {  	_ = 	snop  }
__scs_overlays_trampoline_lowered:
0x8: {  	[smem:$0x3FA5] =	sst s0  }
0x9: {  	[smem:$0x3FA6] =	sst s1  }
0xa: {  	[smem:$0x3FA7] =	sst s2  }
0xb: {  	[smem:$0x3FA8] =	sst s3  }
0xc: {  	[smem:$0x3FA9] =	sst s4  }
0xd: {  	[smem:$0x3FAA] =	sst s5  }
0xe: {  	[smem:$0x3FAB] =	sst s6  }
0xf: {  	[smem:$0x3FAC] =	sst s7  }
0x10: {  	[smem:$0x3FAD] =	sst s8  }
0x11: {  	[smem:$0x3FAE] =	sst s9;
	s0 =	simm.s32 @!p0 $0x0  }
0x12: {  	s1 =	sld [smem:$0x3F94];
	s0 =	simm.s32 @p0 $0x1  }
0x13: {  	[smem:$0x3FAF] =	sst s0;
	s0 =	simm.s32 @!p1 $0x0  }
0x14: {  	s2 =	sld [smem:$0x3F93];
	s0 =	simm.s32 @p1 $0x1  }
0x15: {  	[smem:$0x3FB0] =	sst s0;
	s0 =	simm.s32 @!p2 $0x0  }
0x16: {  	s3 =	sld [smem:$0x3FDB];
	s0 =	simm.s32 @p2 $0x1  }
0x17: {  	s4 =	simm.s32 $0x1BF5;
	[smem:$0x3FB2] =	sst s0  }
0x18: {  	s0 =	sld [smem:$0x3F95];
	_ =	swait.ge [sflag:s4], $0x0  }
0x19: {  	s7 =	sld [smem:$0x3F96]  }
0x1a: {  	s8 =	sadd.s32 $0xFFFFE003, lr  }
0x1b: {  	s9 =	sadd.s32 $0xFFFFFEF7, lr;
	s5 =	simm.s32 $0xFFFFFFFF;
	p2 =	slt.u32 s8, $0xFFFFF086  }
0x1c: {  	p1 =	slt.u32 s9, $0xF7A;
	s5 =	simm.s32 @!p2 $0x0  }
0x1d: {  	s5 =	simm.s32 @p1 $0x1;
	p0 =	seq.s32 s7, s2  }
0x1e: {  	s7 =	smul.u32 @!p0 $0xF7A, s2;
	p2 =	seq.s32 @!p0 s5, $0x0  }
0x1f: {  	s9 =	smul.u32 $0xF7A, s1;
	s8 =	simm.s32 @!p0 $0x1BF5;
	p2 =	por !p2, p0  }
0x20: {  	[sflag:s8] =	ssyncset.s32 @!p0 $0xFFFFF086;
	s6 =	sadd.s32 @!p0 s3, s7;
	s7 =	simm.s32 @!p0 $0x108  }
0x21: {  	s3 =	sadd.s32 s3, s9;
	s6 =	sadd.s32 @!p0 $0x88, s6;
	s7 =	simm.s32 @p2 $0x1082  }
0x22: {  	[simem:s7], [sflag:s8] =	dma.local @!p0 [hbm:s6], $0xF7A  }
0x23: {  	s9 =	sor.u32 $0xD0000000, s2;
	s6 =	simm.s32 $0x108;
	_ =	swait.ge @!p0 [sflag:s8], $0x0  }
0x24: {  	s3 =	sadd.s32 $0x88, s3;
	s6 =	simm.s32 @!p1 $0x1082;
	[sflag:s4] =	ssyncset.s32 $0xFFFFF086  }
0x25: {  	[simem:s6], [sflag:s4] =	dma.local [hbm:s3], $0xF7A  }
0x26: {  	[smem:$0x3F96] =	sst s1;
	(tag) =	ssettag s2;
	_ =	strace s9  }
0x27: {  	s1 =	sld [smem:$0x3FA6]  }
0x28: {  	s2 =	sld [smem:$0x3FA7]  }
0x29: {  	s4 =	sld [smem:$0x3FA9]  }
0x2a: {  	p0 =	seq.s32 s5, $0x0;
	s5 =	sld [smem:$0x3FAA]  }
0x2b: {  	s6 =	sld [smem:$0x3FAB]  }
0x2c: {  	s7 =	sld [smem:$0x3FAC]  }
0x2d: {  	s3 =	simm.s32 $0x108;
	s8 =	sld [smem:$0x3FAD]  }
0x2e: {  	s3 =	simm.s32 @!p0 $0x1082;
	s9 =	sld [smem:$0x3FAE]  }
0x2f: {  	lr =	sadd.s32 s0, s3;
	s0 =	sld [smem:$0x3FA5]  }
0x30: {  	s3 =	sld [smem:$0x3FA8]  }
0x31: {  	[smem:$0x3FB1] =	sst s10  }
0x32: {  	s10 =	sld [smem:$0x3FAF];
	_ =	sdelay $0x3  }
0x33: {  	p0 =	seq.s32 s10, $0x1;
	s10 =	sld [smem:$0x3FB1];
	_ =	sdelay $0x3  }
0x34: {  	[smem:$0x3FB1] =	sst s10  }
0x35: {  	s10 =	sld [smem:$0x3FB0];
	_ =	sdelay $0x3  }
0x36: {  	p1 =	seq.s32 s10, $0x1;
	s10 =	sld [smem:$0x3FB1];
	_ =	sdelay $0x3  }
0x37: {  	[smem:$0x3FB1] =	sst s10  }
0x38: {  	s10 =	sld [smem:$0x3FB2]  }
0x39: {  	_ = 	snop;
	(pc) =	sbr.ind lr, $3  }
0x3a: {  	_ = 	snop  }
0x3b: {  	_ = 	snop  }
0x3c: {  	p2 =	seq.s32 s10, $0x1;
	s10 =	sld [smem:$0x3FB1]  }
0x3d: {  	_ =	shalt  }
0x3e: {  	_ =	shalt  }
0x3f: {  	_ =	shalt  }
0x40: {  	_ =	shalt  }
0x41: {  	_ =	shalt  }
0x42: {  	_ =	shalt  }
0x43: {  	_ =	shalt  }
0x44: {  	_ =	shalt  }
0x45: {  	_ =	shalt  }
0x46: {  	_ =	shalt  }
0x47: {  	_ =	shalt  }
0x48: {  	_ =	shalt  }
0x49: {  	_ =	shalt  }
0x4a: {  	_ =	shalt  }
0x4b: {  	_ =	shalt  }
0x4c: {  	_ =	shalt  }
0x4d: {  	_ =	shalt  }
0x4e: {  	_ =	shalt  }
0x4f: {  	_ =	shalt  }
0x50: {  	_ =	shalt  }
0x51: {  	_ =	shalt  }
0x52: {  	_ =	shalt  }
0x53: {  	_ =	shalt  }
0x54: {  	_ =	shalt  }
0x55: {  	_ =	shalt  }
0x56: {  	_ =	shalt  }
0x57: {  	_ =	shalt  }
0x58: {  	_ =	shalt  }
0x59: {  	_ =	shalt  }
0x5a: {  	_ =	shalt  }
0x5b: {  	_ =	shalt  }
0x5c: {  	_ =	shalt  }
0x5d: {  	_ =	shalt  }
0x5e: {  	_ =	shalt  }
0x5f: {  	_ =	shalt  }
0x60: {  	_ =	shalt  }
0x61: {  	_ =	shalt  }
0x62: {  	_ =	shalt  }
0x63: {  	_ =	shalt  }
0x64: {  	_ =	shalt  }
0x65: {  	_ =	shalt  }
0x66: {  	_ =	shalt  }
0x67: {  	_ =	shalt  }
0x68: {  	_ =	shalt  }
0x69: {  	_ =	shalt  }
0x6a: {  	_ =	shalt  }
0x6b: {  	_ =	shalt  }
0x6c: {  	_ =	shalt  }
0x6d: {  	_ =	shalt  }
0x6e: {  	_ =	shalt  }
0x6f: {  	_ =	shalt  }
0x70: {  	_ =	shalt  }
0x71: {  	_ =	shalt  }
0x72: {  	_ =	shalt  }
0x73: {  	_ =	shalt  }
0x74: {  	_ =	shalt  }
0x75: {  	_ =	shalt  }
0x76: {  	_ =	shalt  }
0x77: {  	_ =	shalt  }
0x78: {  	_ =	shalt  }
0x79: {  	_ =	shalt  }
0x7a: {  	_ =	shalt  }
0x7b: {  	_ =	shalt  }
0x7c: {  	_ =	shalt  }
0x7d: {  	_ =	shalt  }
0x7e: {  	_ =	shalt  }
0x7f: {  	_ =	shalt  }
0x80: {  	_ =	shalt  }
0x81: {  	_ =	shalt  }
0x82: {  	_ =	shalt  }
0x83: {  	_ =	shalt  }
0x84: {  	_ =	shalt  }
0x85: {  	_ =	shalt  }
0x86: {  	_ =	shalt  }
0x87: {  	_ =	shalt  }
.Lfunc_end0:
.L_simem_size_0:
called_computation_lowered:
.L_overlay_start_0:
0x88: {  	s2 =	sld [smem:$0x3FD9]  }
0x89: {  	s3 =	sld [smem:$0x3FFE];
	_ =	sdelay $0x1  }
0x8a: {  	s1 =	srdreg.scid  }
0x8b: {  	s0 =	sand.u32 $0x1, s1  }
0x8c: {  	s16 =	sshll.u32 s0, $0xA;
	s2 =	sadd.s32 s3, s2  }
0x8d: {  	s2 =	sadd.s32 s2, s16  }
0x8e: {  	[smem:$0x3FBD] =	sst s2  }
0x8f: {  	_ = 	snop  }
0x90: {  	(tm) =	ssettm $0x1  }
0x91: {  	s17 =	sld [smem:$0x3FFB];
	_ =	sdelay $0x3  }
0x92: {  	_ =	strace s17  }
0x93: {  	s2 =	sld [smem:$0x3FFC];
	_ =	sdelay $0x3  }
0x94: {  	_ =	strace s2  }
0x95: {  	s2 =	sld [smem:$0x3FFD];
	_ =	sdelay $0x3  }
0x96: {  	_ =	strace s2  }
0x97: {  	_ =	strace $0x8FFFFFFF  }
0x98: {  	s18 =	sld [smem:$0x3FDB];
	_ =	sdelay $0x1  }
0x99: {  	s19 =	simm.s32 $_scs_section_size  }
0x9a: {  	s4 =	simm.s32 $_size__tile_overlayer_lowered;
	s5 =	simm.s32 $_tile_overlayer_lowered  }
0x9b: {  	s22 =	simm.s32 $0x1BFF;
	s21 =	sshll.u32 s5, $0x1;
	s2 =	sadd.s32 s19, s18  }
0x9c: {  	s6 =	simm.s32 $0x0;
	s20 =	sshll.u32 s4, $0x1;
	s4 =	sadd.s32 s21, s2  }
0x9d: {  	[timem:s6], [sflag:s22] =	dma.local [hbm:s4], s20  }
0x9e: {  	_ =	swait.ge [sflag:s22], s20  }
0x9f: {  	s3 =	ssub.s32 $0x0, s20;
	[sflag:s22] =	ssyncset.done $0x0  }
0xa0: {  	[sflag:s22] =	ssyncadd.s32 s3;
	_ =	sdelay $0x1  }
0xa1: {  	s23 =	simm.s32 $0x1B8B  }
0xa2: {  	_ =	swait.ge [sflag:s23], $0x1  }
0xa3: {  	[sflag:s23] =	ssyncset.done $0x0  }
0xa4: {  	s25 =	simm.s32 $0x1B8E;
	s24 =	sld [smem:$0x3FFE];
	[sflag:s23] =	ssyncadd.s32 $0xFFFFFFFF  }
0xa5: {  	s26 =	simm.s32 $execute0_lowered;
	[smem:$0x3FD2] =	sst s25  }
0xa6: {  	s4 =	sshll.u32 s26, $0x1;
	_ =	strace $0x80000046;
	[dreg:$0x1] =	wrdreg $0xFFFFFFFF  }
0xa7: {  	s28 =	simm.s32 $_size_execute0_lowered;
	s2 =	sadd.s32 s2, s4;
	[dreg:$0x0] =	wrdreg $0x0  }
0xa8: {  	s4 =	sshll.u32 s28, $0x1;
	[dreg:$0x2] =	wrdreg s2  }
0xa9: {  	[dreg:$0x3] =	wrdreg s4  }
0xaa: {  	[dreg:$0x4] =	wrdreg $0xC0  }
0xab: {  	_ =	task [dreg:s6], $0x5FFFF  }
0xac: {  	[dreg:$0x1] =	wrdreg $0xFFFFFFFF  }
0xad: {  	[dreg:$0x0] =	wrdreg $0x60  }
0xae: {  	[dreg:$0x2] =	wrdreg s24  }
0xaf: {  	[dreg:$0x3] =	wrdreg $0xA5000  }
0xb0: {  	[dreg:$0x4] =	wrdreg $0x9  }
0xb1: {  	_ =	task.clear_ibuf [dreg:s6], $0x5FFFF;
	_ =	strace $0x90000046  }
0xb2: {  	s29 =	simm.s32 $0x9;
	_ =	strace $0x80000048  }
0xb3: {  	_ =	swait.ge [sflag:s29], $0x1  }
0xb4: {  	[sflag:s29] =	ssyncadd.s32 $0xFFFFFFFF  }
0xb5: {  	_ =	strace $0x90000048  }
0xb6: {  	_ =	sfence  }
0xb7: {  	s30 =	sld [smem:$0x0];
	_ =	sdelay $0x2  }
0xb8: {  	s31 =	sshll.u32 s1, $0xD;
	s1 =	sshrl.u32 s1, $0x2  }
0xb9: {  	s3 =	sand.u32 $0x4000, s31;
	s1 =	sadd.s32 s1, s30  }
0xba: {  	s0 =	sor.u32 s3, s0;
	s1 =	sshll.u32 s1, $0x11  }
0xbb: {  	s0 =	sor.u32 s1, s0  }
0xbc: {  	s0 =	sadd.s32 $0x8F2B, s0  }
0xbd: {  	[sflag:s0] =	ssyncadd.remote.s32 $0x1  }
0xbe: {  	_ =	sfence.sel $0xFFFF  }
0xbf: {  	[dreg:$0x0] =	wrdreg $0xFFFFFFFF;
	(pc) =	sbr.abs _section_cstart, $3  }
0xc0: {  	[dreg:$0x1] =	wrdreg $0xFFFFFFFF  }
0xc1: {  	_ =	task.clear_ibuf [dreg:s6], $0x2FFFF;
	_ =	strace $0x9FFFFFFF  }
0xc2: {  	(tm) =	ssettm $0x7FFFFFFF  }
0xc3: {  	_ =	shalt  }
tec
execute0_lowered:
.L_overlay_start_1:
0x0: {  	(tag) =	ssettag $0x1  }
0x1: {  	s0 =	rddreg [dreg:$0x0]  }
0x2: {  	s1 =	rddreg [dreg:$0x1];
	s2 =	simm.s32 $0x0  }
0x3: {  	s9 =	stileid.u32;
	s4 =	srdreg.scid;
	s16 =	simm.s32 $0x2800  }
0x4: {  	s17 =	simm.s32 $0x5;
	s18 =	simm.s32 $0x1400;
	s19 =	simm.s32 $0x7D  }
0x5: {  	s20 =	simm.s32 $0x80;
	s21 =	simm.s32 $0x4740;
	s22 =	simm.s32 $0x100  }
0x6: {  	s23 =	simm.s32 $0x6680;
	s24 =	simm.s32 $0x180;
	s28 =	simm.s32 $0x1  }
0x7: {  	s29 =	simm.s32 $0x2;
	s30 =	simm.s32 $0x3;
	s3 =	smul.u32 $0xA00, s9  }
0x8: {  	s31 =	simm.s32 $0x4;
	[smem:$0x7FF] =	sst s2;
	s5 =	smul.u32 $0x27000, s9  }
0x9: {  	s4 =	sand.u32 $0x1, s4;
	s8 =	smul.u32 $0x9C00, s9;
	p0 =	sne.s32 s9, $0x0  }
0xa: {  	_ =	strace $0x80000047;
	s6 =	smul.u32 $0x13880, s4;
	s5 =	sshrl.u32 s5, $0x2  }
0xb: {  	s4 =	ssub.s32 $0x2, s4;
	s3 =	sadd.s32 s3, s0;
	s5 =	sadd.s32 s5, s1  }
0xc: {  	s7 =	sshrl.u32 s4, $0x1;
	s15 =	sshrl.u32 s8, $0x3;
	s10 =	sadd.s32 $0x1A00, s5  }
0xd: {  	s0 =	sadd.s32 s6, s0;
	s11 =	sadd.s32 $0x3400, s5;
	[dreg:$0x3] =	wrdreg s10  }
0xe: {  	s26 =	ssub.s32 s4, s7;
	s12 =	sadd.s32 $0x4E00, s5;
	[dreg:$0x4] =	wrdreg s11  }
0xf: {  	s4 =	sadd.s32 s8, s1;
	s13 =	sadd.s32 $0x6800, s5;
	[dreg:$0x5] =	wrdreg s12  }
0x10: {  	s6 =	simm.s32 $0x2780;
	s5 =	sadd.s32 $0x8200, s5;
	[dreg:$0x6] =	wrdreg s13  }
0x11: {  	s14 =	sadd.s32 $0x3EC00, s0;
	s26 =	smax.u32 s26, $0x1;
	[dreg:$0x7] =	wrdreg s5  }
0x12: {  	s10 =	sadd.s32 $0x9C000, s1;
	s11 =	sadd.s32 $0x2AC00, s3;
	s12 =	sadd.s32 $0x34C00, s3  }
0x13: {  	s13 =	sadd.s32 $0x3A00, s0;
	[dreg:$0x8] =	wrdreg s26;
	s25 =	smov.u32 s14  }
0x14: {  	s0 =	sadd.s32 s15, s14;
	s26 =	simm.s32 $0x85C0;
	s3 =	simm.s32 $0x2680  }
0x15: {  	v0 =	vimm.f32 $0.0e+00;
	s5 =	simm.s32 $0x2700;
	[dreg:$0x9] =	wrdreg s0;
	s0 =	simm.s32 $0x2600  }
.LBB2_1:
0x16: {  	s8 =	simm.s32 $0x100;
	s7 =	simm.s32 $0x0  }
.LBB2_2:
0x17: {  	p1 =	sne.s32 s8, $0x7C00;
	[tilespmem:s7+$0x2830] =	vst v0;
	s9 =	smov.u32 s8;
	s8 =	sadd.s32 $0x100, s8  }
.Ltmp0:
0x18: {  	[tilespmem:s7+$0x2820] =	vst v0;
	(pc) =	sbr.rel @p1 .LBB2_2-.Ltmp0, $3  }
0x19: {  	[tilespmem:s7+$0x2800] =	vst v0  }
0x1a: {  	[tilespmem:s7+$0x2810] =	vst v0;
	_ =	sdelay $0x1  }
0x1b: {  	s7 =	sshra.s32 s9, $0x2  }
0x1c: {  	[tilespmem:s7+$0x2830] =	vst v0  }
0x1d: {  	[tilespmem:s7+$0x2820] =	vst v0  }
0x1e: {  	[tilespmem:s7+$0x2800] =	vst v0  }
0x1f: {  	[tilespmem:s7+$0x2810] =	vst v0  }
0x20: {  	[spmem:s4] =	stream.linear.scatter [tilespmem:s16], [sflag:$0x5], $0x1A00, $0x38;
	[tilespmem:$0x14140] =	vst v63  }
0x21: {  	_ =	swait.ge [sflag:s17], $0x1A00  }
0x22: {  	[sflag:s17] =	ssyncset.done $0x0  }
0x23: {  	s15 =	rddreg [dreg:$0x3];
	[sflag:s17] =	ssyncadd.s32 $0xFFFFE600  }
0x24: {  	[spmem:s15] =	stream.linear.scatter [tilespmem:s16], [sflag:$0x5], $0x1A00, $0x38;
	[tilespmem:$0x14140] =	vst v63  }
0x25: {  	_ =	swait.ge [sflag:s17], $0x1A00  }
0x26: {  	[sflag:s17] =	ssyncset.done $0x0  }
0x27: {  	s8 =	rddreg [dreg:$0x4];
	[sflag:s17] =	ssyncadd.s32 $0xFFFFE600  }
0x28: {  	[spmem:s8] =	stream.linear.scatter [tilespmem:s16], [sflag:$0x5], $0x1A00, $0x38;
	[tilespmem:$0x14140] =	vst v63  }
0x29: {  	_ =	swait.ge [sflag:s17], $0x1A00  }
0x2a: {  	[sflag:s17] =	ssyncset.done $0x0  }
0x2b: {  	s9 =	rddreg [dreg:$0x5];
	[sflag:s17] =	ssyncadd.s32 $0xFFFFE600  }
0x2c: {  	[spmem:s9] =	stream.linear.scatter [tilespmem:s16], [sflag:$0x5], $0x1A00, $0x38;
	[tilespmem:$0x14140] =	vst v63  }
0x2d: {  	_ =	swait.ge [sflag:s17], $0x1A00  }
0x2e: {  	[sflag:s17] =	ssyncset.done $0x0  }
0x2f: {  	s14 =	rddreg [dreg:$0x6];
	[sflag:s17] =	ssyncadd.s32 $0xFFFFE600  }
0x30: {  	[spmem:s14] =	stream.linear.scatter [tilespmem:s16], [sflag:$0x5], $0x1A00, $0x38;
	[tilespmem:$0x14140] =	vst v63  }
0x31: {  	_ =	swait.ge [sflag:s17], $0x1A00  }
0x32: {  	[sflag:s17] =	ssyncset.done $0x0  }
0x33: {  	s15 =	rddreg [dreg:$0x7];
	[sflag:s17] =	ssyncadd.s32 $0xFFFFE600  }
0x34: {  	[spmem:s15] =	stream.linear.scatter [tilespmem:s16], [sflag:$0x5], $0x1A00, $0x38;
	[tilespmem:$0x14140] =	vst v63  }
0x35: {  	_ =	swait.ge [sflag:s17], $0x1A00  }
0x36: {  	[sflag:s17] =	ssyncset.done $0x0  }
0x37: {  	s7 =	simm.s32 @!p0 $0x2800;
	[sflag:s17] =	ssyncadd.s32 $0xFFFFE600  }
0x38: {  	[spmem:s10] =	stream.linear.scatter @!p0 [tilespmem:s7], [sflag:$0x5], $0x400, $0x38;
	[tilespmem:$0x14140] =	vst v63  }
0x39: {  	s7 =	simm.s32 @!p0 $0x5  }
0x3a: {  	_ =	swait.ge @!p0 [sflag:s7], $0x400  }
0x3b: {  	[sflag:s7] =	ssyncset.done @!p0 $0x0  }
0x3c: {  	[sflag:s7] =	ssyncadd.s32 @!p0 $0xFFFFFC00  }
0x3d: {  	s8 =	simm.s32 $0x0;
	s7 =	simm.s32 $0x0;
	[bflag:$0x0] =	sbarrier.arrive $0xFFFF  }
.LBB2_4:
0x3e: {  	s9 =	smul.u32 $0x280, s8;
	_ =	sdelay $0x1  }
0x3f: {  	s15 =	sadd.s32 s9, s11  }
0x40: {  	[tilespmem:s7], [sflag:$0x5] =	stream.linear.gather [hbm4b:s15+s7], $0x1400, $0x38;
	[tilespmem:$0x14140] =	vst v63  }
0x41: {  	_ =	swait.ge [sflag:s17], $0x1400  }
0x42: {  	[sflag:s17] =	ssyncset.done $0x0  }
0x43: {  	s9 =	sadd.s32 s9, s12;
	[sflag:s17] =	ssyncadd.s32 $0xFFFFEC00  }
0x44: {  	[tilespmem:s18], [sflag:$0x5] =	stream.linear.gather [hbm4b:s9+s7], $0x1400, $0x38;
	[tilespmem:$0x14140] =	vst v63  }
0x45: {  	_ =	swait.ge [sflag:s17], $0x1400  }
0x46: {  	[sflag:s17] =	ssyncset.done $0x0  }
0x47: {  	[sflag:s17] =	ssyncadd.s32 $0xFFFFEC00  }
0x48: {  	[tilespmem:s16], [sflag:$0x1] =	stream.indirect.gather [hbm4b:s13+s19], $0x40, s7, s19, $0xb8;
	[tilespmem:$0x14140] =	vst v63  }
0x49: {  	_ = 	snop  }
0x4a: {  	[tilespmem:s21], [sflag:$0x2] =	stream.indirect.gather [hbm4b:s13+s19], $0x40, s20, s19, $0xb8;
	[tilespmem:$0x14140] =	vst v63  }
0x4b: {  	_ = 	snop  }
0x4c: {  	[tilespmem:s23], [sflag:$0x3] =	stream.indirect.gather [hbm4b:s13+s19], $0x40, s22, s19, $0xb8;
	[tilespmem:$0x14140] =	vst v63  }
0x4d: {  	_ = 	snop  }
0x4e: {  	[tilespmem:s26], [sflag:$0x4] =	stream.indirect.gather [hbm4b:s13+s19], $0x40, s24, s19, $0xb8;
	[tilespmem:$0x14140] =	vst v63  }
0x4f: {  	_ =	swait.ge [sflag:s28], $0x1F40  }
0x50: {  	[sflag:s28] =	ssyncset.done $0x0  }
0x51: {  	s15 =	simm.s32 $0x1400;
	[sflag:s28] =	ssyncadd.s32 $0xFFFFE0C0  }
0x52: {  	[spmem:s1] =	stream.indirect.scatter.add.f32 [tilespmem:s16], [sflag:$0x5], $0x40, s15, s19, $0xb8;
	[tilespmem:$0x14140] =	vst v63  }
0x53: {  	_ =	swait.ge [sflag:s17], $0x1F40  }
0x54: {  	[sflag:s17] =	ssyncset.done $0x0  }
0x55: {  	s14 =	simm.s32 $0x200;
	[sflag:s17] =	ssyncadd.s32 $0xFFFFE0C0  }
0x56: {  	[tilespmem:s16], [sflag:$0x1] =	stream.indirect.gather [hbm4b:s13+s19], $0x40, s14, s19, $0xb8;
	[tilespmem:$0x14140] =	vst v63  }
0x57: {  	_ =	swait.ge [sflag:s29], $0x1F40  }
0x58: {  	[sflag:s29] =	ssyncset.done $0x0  }
0x59: {  	s15 =	simm.s32 $0x1480;
	[sflag:s29] =	ssyncadd.s32 $0xFFFFE0C0  }
0x5a: {  	[spmem:s1] =	stream.indirect.scatter.add.f32 [tilespmem:s21], [sflag:$0x5], $0x40, s15, s19, $0xb8;
	[tilespmem:$0x14140] =	vst v63  }
0x5b: {  	_ =	swait.ge [sflag:s17], $0x1F40  }
0x5c: {  	[sflag:s17] =	ssyncset.done $0x0  }
0x5d: {  	s14 =	simm.s32 $0x280;
	[sflag:s17] =	ssyncadd.s32 $0xFFFFE0C0  }
0x5e: {  	[tilespmem:s21], [sflag:$0x2] =	stream.indirect.gather [hbm4b:s13+s19], $0x40, s14, s19, $0xb8;
	[tilespmem:$0x14140] =	vst v63  }
0x5f: {  	_ =	swait.ge [sflag:s30], $0x1F40  }
0x60: {  	[sflag:s30] =	ssyncset.done $0x0  }
0x61: {  	s15 =	simm.s32 $0x1500;
	[sflag:s30] =	ssyncadd.s32 $0xFFFFE0C0  }
0x62: {  	[spmem:s1] =	stream.indirect.scatter.add.f32 [tilespmem:s23], [sflag:$0x5], $0x40, s15, s19, $0xb8;
	[tilespmem:$0x14140] =	vst v63  }
0x63: {  	_ =	swait.ge [sflag:s17], $0x1F40  }
0x64: {  	[sflag:s17] =	ssyncset.done $0x0  }
0x65: {  	s14 =	simm.s32 $0x300;
	[sflag:s17] =	ssyncadd.s32 $0xFFFFE0C0  }
0x66: {  	[tilespmem:s23], [sflag:$0x3] =	stream.indirect.gather [hbm4b:s13+s19], $0x40, s14, s19, $0xb8;
	[tilespmem:$0x14140] =	vst v63  }
0x67: {  	_ =	swait.ge [sflag:s31], $0x1F40  }
0x68: {  	[sflag:s31] =	ssyncset.done $0x0  }
0x69: {  	s15 =	simm.s32 $0x1580;
	[sflag:s31] =	ssyncadd.s32 $0xFFFFE0C0  }
0x6a: {  	[spmem:s1] =	stream.indirect.scatter.add.f32 [tilespmem:s26], [sflag:$0x5], $0x40, s15, s19, $0xb8;
	[tilespmem:$0x14140] =	vst v63  }
0x6b: {  	_ =	swait.ge [sflag:s17], $0x1F40  }
0x6c: {  	[sflag:s17] =	ssyncset.done $0x0  }
0x6d: {  	s9 =	simm.s32 $0x800;
	s15 =	simm.s32 $0x380;
	[sflag:s17] =	ssyncadd.s32 $0xFFFFE0C0  }
.LBB2_5:
0x6e: {  	[tilespmem:s26], [sflag:$0x4] =	stream.indirect.gather [hbm4b:s13+s19], $0x40, s15, s19, $0xb8;
	[tilespmem:$0x14140] =	vst v63  }
0x6f: {  	s15 =	smov.u32 s9  }
0x70: {  	p1 =	sne.s32 s9, $0x4000;
	s9 =	sadd.s32 $0x800, s9;
	_ =	swait.ge [sflag:s28], $0x1F40  }
0x71: {  	s15 =	sshra.s32 s15, $0x2;
	[sflag:s28] =	ssyncset.done $0x0  }
0x72: {  	s14 =	sadd.s32 $0x1400, s15;
	[sflag:s28] =	ssyncadd.s32 $0xFFFFE0C0  }
0x73: {  	[spmem:s1] =	stream.indirect.scatter.add.f32 [tilespmem:s16], [sflag:$0x5], $0x40, s14, s19, $0xb8;
	[tilespmem:$0x14140] =	vst v63  }
0x74: {  	_ =	swait.ge [sflag:s17], $0x1F40  }
0x75: {  	[sflag:s17] =	ssyncset.done $0x0  }
0x76: {  	s14 =	sadd.s32 $0x200, s15;
	[sflag:s17] =	ssyncadd.s32 $0xFFFFE0C0  }
0x77: {  	[tilespmem:s16], [sflag:$0x1] =	stream.indirect.gather [hbm4b:s13+s19], $0x40, s14, s19, $0xb8;
	[tilespmem:$0x14140] =	vst v63  }
0x78: {  	_ =	swait.ge [sflag:s29], $0x1F40  }
0x79: {  	[sflag:s29] =	ssyncset.done $0x0  }
0x7a: {  	s14 =	sadd.s32 $0x1480, s15;
	[sflag:s29] =	ssyncadd.s32 $0xFFFFE0C0  }
0x7b: {  	[spmem:s1] =	stream.indirect.scatter.add.f32 [tilespmem:s21], [sflag:$0x5], $0x40, s14, s19, $0xb8;
	[tilespmem:$0x14140] =	vst v63  }
0x7c: {  	_ =	swait.ge [sflag:s17], $0x1F40  }
0x7d: {  	[sflag:s17] =	ssyncset.done $0x0  }
0x7e: {  	s14 =	sadd.s32 $0x280, s15;
	[sflag:s17] =	ssyncadd.s32 $0xFFFFE0C0  }
0x7f: {  	[tilespmem:s21], [sflag:$0x2] =	stream.indirect.gather [hbm4b:s13+s19], $0x40, s14, s19, $0xb8;
	[tilespmem:$0x14140] =	vst v63  }
0x80: {  	_ =	swait.ge [sflag:s30], $0x1F40  }
0x81: {  	[sflag:s30] =	ssyncset.done $0x0  }
0x82: {  	s14 =	sadd.s32 $0x1500, s15;
	[sflag:s30] =	ssyncadd.s32 $0xFFFFE0C0  }
0x83: {  	[spmem:s1] =	stream.indirect.scatter.add.f32 [tilespmem:s23], [sflag:$0x5], $0x40, s14, s19, $0xb8;
	[tilespmem:$0x14140] =	vst v63  }
0x84: {  	_ =	swait.ge [sflag:s17], $0x1F40  }
0x85: {  	[sflag:s17] =	ssyncset.done $0x0  }
0x86: {  	s14 =	sadd.s32 $0x300, s15;
	[sflag:s17] =	ssyncadd.s32 $0xFFFFE0C0  }
0x87: {  	[tilespmem:s23], [sflag:$0x3] =	stream.indirect.gather [hbm4b:s13+s19], $0x40, s14, s19, $0xb8;
	[tilespmem:$0x14140] =	vst v63  }
0x88: {  	_ =	swait.ge [sflag:s31], $0x1F40  }
0x89: {  	[sflag:s31] =	ssyncset.done $0x0  }
.Ltmp1:
0x8a: {  	s14 =	sadd.s32 $0x1580, s15;
	[sflag:s31] =	ssyncadd.s32 $0xFFFFE0C0;
	(pc) =	sbr.rel @p1 .LBB2_5-.Ltmp1, $4  }
0x8b: {  	[spmem:s1] =	stream.indirect.scatter.add.f32 [tilespmem:s26], [sflag:$0x5], $0x40, s14, s19, $0xb8;
	[tilespmem:$0x14140] =	vst v63  }
0x8c: {  	_ =	swait.ge [sflag:s17], $0x1F40  }
0x8d: {  	[sflag:s17] =	ssyncset.done $0x0  }
0x8e: {  	s15 =	sadd.s32 $0x380, s15;
	[sflag:s17] =	ssyncadd.s32 $0xFFFFE0C0  }
0x8f: {  	[tilespmem:s26], [sflag:$0x4] =	stream.indirect.gather [hbm4b:s13+s19], $0x40, s15, s19, $0xb8;
	[tilespmem:$0x14140] =	vst v63  }
0x90: {  	_ =	swait.ge [sflag:s28], $0x1F40  }
0x91: {  	[sflag:s28] =	ssyncset.done $0x0  }
0x92: {  	[sflag:s28] =	ssyncadd.s32 $0xFFFFE0C0  }
0x93: {  	[spmem:s1] =	stream.indirect.scatter.add.f32 [tilespmem:s16], [sflag:$0x5], $0x40, s0, s19, $0xb8;
	[tilespmem:$0x14140] =	vst v63  }
0x94: {  	_ =	swait.ge [sflag:s17], $0x1F40  }
0x95: {  	[sflag:s17] =	ssyncset.done $0x0  }
0x96: {  	[sflag:s17] =	ssyncadd.s32 $0xFFFFE0C0  }
0x97: {  	_ =	swait.ge [sflag:s29], $0x1F40  }
0x98: {  	[sflag:s29] =	ssyncset.done $0x0  }
0x99: {  	[sflag:s29] =	ssyncadd.s32 $0xFFFFE0C0  }
0x9a: {  	[spmem:s1] =	stream.indirect.scatter.add.f32 [tilespmem:s21], [sflag:$0x5], $0x40, s3, s19, $0xb8;
	[tilespmem:$0x14140] =	vst v63  }
0x9b: {  	_ =	swait.ge [sflag:s17], $0x1F40  }
0x9c: {  	[sflag:s17] =	ssyncset.done $0x0  }
0x9d: {  	[sflag:s17] =	ssyncadd.s32 $0xFFFFE0C0  }
0x9e: {  	_ =	swait.ge [sflag:s30], $0x1F40  }
0x9f: {  	[sflag:s30] =	ssyncset.done $0x0  }
0xa0: {  	[sflag:s30] =	ssyncadd.s32 $0xFFFFE0C0  }
0xa1: {  	[spmem:s1] =	stream.indirect.scatter.add.f32 [tilespmem:s23], [sflag:$0x5], $0x40, s5, s19, $0xb8;
	[tilespmem:$0x14140] =	vst v63  }
0xa2: {  	_ =	swait.ge [sflag:s17], $0x1F40  }
0xa3: {  	[sflag:s17] =	ssyncset.done $0x0  }
0xa4: {  	[sflag:s17] =	ssyncadd.s32 $0xFFFFE0C0  }
0xa5: {  	s8 =	sadd.s32 $0x1, s8;
	_ =	swait.ge [sflag:s31], $0x1F40  }
0xa6: {  	p1 =	sne.s32 s8, $0x4;
	[sflag:s31] =	ssyncset.done $0x0  }
.Ltmp2:
0xa7: {  	[sflag:s31] =	ssyncadd.s32 $0xFFFFE0C0;
	(pc) =	sbr.rel @p1 .LBB2_4-.Ltmp2, $4  }
0xa8: {  	[spmem:s1] =	stream.indirect.scatter.add.f32 [tilespmem:s26], [sflag:$0x5], $0x40, s6, s19, $0xb8;
	[tilespmem:$0x14140] =	vst v63  }
0xa9: {  	_ =	swait.ge [sflag:s17], $0x1F40  }
0xaa: {  	[sflag:s17] =	ssyncset.done $0x0  }
0xab: {  	[sflag:s17] =	ssyncadd.s32 $0xFFFFE0C0  }
0xac: {  	s7 =	stileid.u32  }
0xad: {  	[bflag:$0x0] =	sbarrier.arrive $0xFFFF;
	s7 =	sshll.u32 s7, $0x6  }
0xae: {  	s8 =	sshrl.u32 s4, $0x3;
	s9 =	rddreg [dreg:$0x9];
	s7 =	sor.u32 $0x1C05, s7  }
0xaf: {  	[hbm:s9], [sflag:s7] =	dma.local [spmem:s8], $0x1380  }
0xb0: {  	_ =	swait.ge [sflag:s17], $0x1380  }
0xb1: {  	[sflag:s17] =	ssyncset.done $0x0  }
0xb2: {  	s8 =	sadd.s32 @!p0 $0x13800, s25;
	s9 =	sshrl.u32 @!p0 s10, $0x3;
	[sflag:s17] =	ssyncadd.s32 $0xFFFFEC80  }
0xb3: {  	[hbm:s8], [sflag:s7] =	dma.local @!p0 [spmem:s9], $0x80  }
0xb4: {  	s7 =	simm.s32 @!p0 $0x5  }
0xb5: {  	_ =	swait.ge @!p0 [sflag:s7], $0x80  }
0xb6: {  	s2 =	sadd.s32 $0x1, s2;
	s15 =	rddreg [dreg:$0x8]  }
0xb7: {  	p1 =	sne.s32 s2, s15  }
.Ltmp3:
0xb8: {  	_ = 	snop;
	(pc) =	sbr.rel @p1 .LBB2_1-.Ltmp3, $3  }
0xb9: {  	_ =	sdelay $0x1  }
0xba: {  	[sflag:s7] =	ssyncset.done @!p0 $0x0  }
0xbb: {  	[sflag:s7] =	ssyncadd.s32 @!p0 $0xFFFFFF80  }
0xbc: {  	_ =	sfence.sel $0x180000  }
0xbd: {  	[bflag:$0x0] =	sbarrier.arrive $0xFFFF  }
0xbe: {  	_ =	strace $0x90000047  }
0xbf: {  	[bflag:$0x2] =	sbarrier.arrive $0xFFFF  }
0xc0: {  	s0 =	rddreg [dreg:$0x2]  }
0xc1: {  	s0 =	sadd.s32 @!p0 $0x100000, s0  }
0xc2: {  	[sflag:s0] =	ssyncadd.tile.s32 @!p0 $0x1;
	_ =	shalt  }
.Lfunc_end2:
_tile_overlayer_lowered:
.L_overlay_start_2:
0xc3: {  	(tag) =	ssettag $0x2  }
0xc4: {  	s0 =	rddreg [dreg:$0x0];
	s2 =	stileid.u32  }
0xc5: {  	s1 =	rddreg [dreg:$0x1];
	p0 =	sne.s32 s2, $0x0  }
0xc6: {  	s3 =	rddreg [dreg:$0x2];
	[bflag:$0x3] =	sbarrier.arrive $0xFFFF;
	s2 =	simm.s32 @!p0 $0x1C05  }
0xc7: {  	[timem:s3], [sflag:s2] =	dma.local @!p0 [hbm:s0], s1  }
0xc8: {  	s0 =	simm.s32 @!p0 $0x5  }
0xc9: {  	_ =	swait.ge @!p0 [sflag:s0], s1  }
0xca: {  	s1 =	ssub.s32 @!p0 $0x0, s1;
	[sflag:s0] =	ssyncset.done @!p0 $0x0  }
0xcb: {  	[sflag:s0] =	ssyncadd.s32 @!p0 s1  }
0xcc: {  	[bflag:$0x3] =	sbarrier.arrive $0xFFFF  }
0xcd: {  	_ =	shalt  }

</sc_bundles>
